<compile_context>
chip_gen: v7x
topology: tpu7x:2x2x1
jax: 0.10.2.dev20260603
libtpu: 0.0.44.dev20260713+nightly
codegen_flags: <defaults>
</compile_context>

<pallas_src>
import functools

import jax
import jax.numpy as jnp
from jax import lax
from jax.experimental import pallas as pl
from jax.experimental.pallas import tpu as pltpu
from jax.experimental.pallas import tpu_sc as plsc

BATCH = 524288
DIM = 32
LABELS = 8192

SC_N = 32768
B0 = BATCH - SC_N
NW = 32
SC_W = SC_N
T0 = B0 // 128
TPW = SC_W // 1024
TPC = 32
NCHUNK = TPW // TPC
TILES = TPC

BLKC = 32768
GRID = B0 // BLKC
ACCW = 1024
SLICES = BLKC // ACCW

_DN_LANE = (((1,), (0,)), ((), ()))
_DN_LAST = (((1,), (1,)), ((), ()))

_mesh = plsc.VectorSubcoreMesh(core_axis_name="c", subcore_axis_name="s")


@functools.partial(
    pl.kernel,
    mesh=_mesh,
    out_type=jax.ShapeDtypeStruct((NW * 128,), jnp.float32),
    scratch_types=[
        pltpu.VMEM((TPC, 8, 128), jnp.float32),
        pltpu.VMEM((TPC, 8, 128), jnp.float32),
        pltpu.VMEM((128,), jnp.float32),
        pltpu.SemaphoreType.DMA,
        pltpu.SemaphoreType.DMA,
    ],
)
def _colsum_sc(x_hbm, out_hbm, buf0, buf1, stage, sem0, sem1):
    wid = lax.axis_index("s") * 2 + lax.axis_index("c")
    g = wid // 8
    j = wid % 8
    t0 = T0 + j * TPW
    bufs = (buf0, buf1)
    sems = (sem0, sem1)
    copies = [
        pltpu.async_copy(x_hbm.at[g, pl.ds(t0 + c * TPC, TPC)], bufs[c], sems[c])
        for c in range(min(2, NCHUNK))
    ]
    zero = jnp.zeros((16,), jnp.float32)
    accs = (zero,) * 8
    for c in range(NCHUNK):
        b = c % 2
        copies[b].wait()
        buf = bufs[b]

        def body(t, a, buf=buf):
            new = list(a)
            for k in range(8):
                for v in range(8):
                    new[k] = new[k] + buf[t, k, pl.ds(v * 16, 16)]
            return tuple(new)

        accs = lax.fori_loop(0, TILES, body, accs)
        nxt = c + 2
        if nxt < NCHUNK:
            copies[b] = pltpu.async_copy(
                x_hbm.at[g, pl.ds(t0 + nxt * TPC, TPC)], bufs[b], sems[b]
            )
    for k in range(8):
        stage[pl.ds(16 * k, 16)] = accs[k]
    pltpu.sync_copy(stage, out_hbm.at[pl.ds(wid * 128, 128)])


def _reduce_tc(x_ref, o_ref, acc_ref):
    i = pl.program_id(0)

    @pl.when(i == 0)
    def _():
        acc_ref[...] = jnp.zeros_like(acc_ref)

    a = acc_ref[...]
    x = x_ref[...]
    for k in range(SLICES):
        a += x[:, k * ACCW:(k + 1) * ACCW]
    acc_ref[...] = a

    @pl.when(i == GRID - 1)
    def _():
        acc = acc_ref[...]
        sw = lax.dot_general(
            acc, jnp.ones((ACCW, 8), jnp.float32), _DN_LANE,
            preferred_element_type=jnp.float32,
        )
        o_ref[...] = 0.125 * lax.dot_general(
            jnp.ones((8, 8), jnp.float32), sw, _DN_LAST,
            preferred_element_type=jnp.float32,
        )


def _codebook_tc(s_ref, p_ref, y_ref, o_ref):
    p = p_ref[...]
    i0 = lax.broadcasted_iota(jnp.int32, (128, 8), 0) // 16
    i1 = lax.broadcasted_iota(jnp.int32, (128, 8), 1)
    fold = jnp.where(i0 == i1, 1.0, 0.0).astype(jnp.float32)
    r = lax.dot_general(p, fold, _DN_LANE,
                        preferred_element_type=jnp.float32)
    ones8 = jnp.ones((1, 8), jnp.float32)
    parts = [
        lax.dot_general(ones8, r[8 * g:8 * g + 8, :], _DN_LANE,
                        preferred_element_type=jnp.float32)
        for g in range(4)
    ]
    s_sc = jnp.concatenate(parts, axis=1)
    s = s_ref[0:1, :] + s_sc
    sb = jnp.broadcast_to(s, (8, DIM))
    yt = y_ref[...]
    m8 = lax.dot_general(sb, yt, _DN_LANE, preferred_element_type=jnp.float32)
    q8 = lax.dot_general(
        jnp.ones((8, DIM), jnp.float32), yt * yt, _DN_LANE,
        preferred_element_type=jnp.float32,
    )
    m = m8[0:1, :]
    q = q8[0:1, :]
    metric = jnp.sign(m) * (m * m) / q
    maxv = jnp.max(metric)
    col = lax.broadcasted_iota(jnp.int32, metric.shape, 1)
    cand = jnp.where(metric == maxv, col, 2**30)
    o_ref[0, 0] = jnp.min(cand)


def kernel(inputs, mean_distances):
    xt = inputs.T
    x4 = xt.reshape(4, 8, 4096, 128).transpose(0, 2, 1, 3)
    yt = mean_distances.T

    psc = _colsum_sc(x4)

    s_tc = pl.pallas_call(
        _reduce_tc,
        grid=(GRID,),
        in_specs=[pl.BlockSpec((DIM, BLKC), lambda i: (0, i))],
        out_specs=pl.BlockSpec((8, DIM), lambda i: (0, 0)),
        out_shape=jax.ShapeDtypeStruct((8, DIM), jnp.float32),
        scratch_shapes=[pltpu.VMEM((DIM, ACCW), jnp.float32)],
    )(xt)

    idx = pl.pallas_call(
        _codebook_tc,
        out_specs=pl.BlockSpec(memory_space=pltpu.SMEM),
        out_shape=jax.ShapeDtypeStruct((1, 1), jnp.int32),
    )(s_tc, psc.reshape(NW, 128), yt)
    return idx.reshape(1)

# --- scband reference (transcript-rebuilt; emitter-appended) ---
"""Pipeline reference for scband-vector-distance-36258113913184 (READ-ONLY COPY).

The authoritative reference and input builder live on the scoring server;
editing this copy changes nothing except your own understanding.
"""

import jax, jax.numpy as jnp
import numpy as np

LABEL_DIM = 8192
VECT_DIM = 32
BATCH = 524288


def setup_inputs(seed: int = 0) -> dict:
    key = jax.random.key(seed)
    k1, k2 = jax.random.split(key)
    inputs = jax.random.normal(k1, (BATCH, VECT_DIM), dtype=jnp.float32)
    # learned (non-trainable) weight: mean_distances table of shape [label_dim, vect_dim]
    mean_distances = jax.random.normal(k2, (LABEL_DIM, VECT_DIM), dtype=jnp.float32) * 0.05
    return {"inputs": inputs, "mean_distances": mean_distances}


def reference(inputs, mean_distances):
    # Faithful translation of VectorDistance.call with type='cosine'.
    # For each codebook row j the original computes a *global* cosine distance:
    #   x_norm = sqrt(sum(x^2))  (scalar, over the whole batch)
    #   y_norm = sqrt(sum(y_j^2))
    #   m      = sum(x * y_j)    (broadcast multiply, summed over batch AND dim)
    #   dist_j = 1 - m / (x_norm * y_norm)   -> shape (1,)
    # sum_b sum_d x[b,d]*y[j,d] == dot(sum_b x[b,:], y[j,:]), so we vectorize
    # over j while keeping the math identical.
    x_norm = jnp.sqrt(jnp.sum(jnp.square(inputs)))                      # scalar
    y_norm = jnp.sqrt(jnp.sum(jnp.square(mean_distances), axis=1))      # [L]
    s = jnp.sum(inputs, axis=0)                                         # [d]
    m = mean_distances @ s                                              # [L]
    cos_sim = m / (x_norm * y_norm)                                     # [L]
    distances = (1.0 - cos_sim)[:, None]                                # [L, 1] == stacked list of (1,) tensors
    # tf.math.argmin(distances_arrays) stacks the list to [L, 1] and argmins over axis 0 -> shape [1]
    index = jnp.argmin(distances, axis=0)                               # [1], integer
    return index

if __name__ == "__main__":
    import jax
    _d = setup_inputs()
    print(jax.jit(kernel)(*tuple(_d.values())))

</pallas_src>

<mosaic_0001>
#map = affine_map<(d0, d1) -> (0, 0, 0, 0)>
#map1 = affine_map<(d0, d1) -> (0)>
module attributes {stable_mosaic.version = 14 : i64} {
  func.func @_colsum_sc(%arg0: i32, %arg1: i32, %arg2: memref<4x4096x8x128xf32, #tpu.memory_space<hbm>>, %arg3: memref<4096xf32, #tpu.memory_space<hbm>>, %arg4: memref<32x8x128xf32, #tpu.memory_space<vmem>>, %arg5: memref<32x8x128xf32, #tpu.memory_space<vmem>>, %arg6: memref<128xf32, #tpu.memory_space<vmem>>, %arg7: memref<!tpu.dma_semaphore, #tpu.memory_space<semaphore_mem>>, %arg8: memref<!tpu.dma_semaphore, #tpu.memory_space<semaphore_mem>>) attributes {dimension_semantics = [#tpu.dimension_semantics<core_parallel>, #tpu.dimension_semantics<subcore_parallel>], iteration_bounds = array<i64: 2, 16>, scalar_prefetch = 0 : i64, scratch_operands = 5 : i64, tpu.core_type = #tpu.core_type<sc_vector_subcore>, window_params = [{transform_indices = #map}, {transform_indices = #map1}]} {
    %mul3A = arith.constant 2 : i32
    %mul3A_0 = arith.muli %arg1, %mul3A : i32
    %add3A = arith.addi %mul3A_0, %arg0 : i32
    %jit3A = arith.constant 8 : i32
    %div3A = arith.divsi %add3A, %jit3A : i32
    %sign3A = arith.constant 0 : i32
    %sign3A_1 = arith.cmpi sgt, %add3A, %sign3A : i32
    %sign3A_2 = arith.extui %sign3A_1 : i1 to i32
    %sign3A_3 = arith.constant 0 : i32
    %sign3A_4 = arith.cmpi slt, %add3A, %sign3A_3 : i32
    %sign3A_5 = arith.extui %sign3A_4 : i1 to i32
    %sign3A_6 = arith.subi %sign3A_2, %sign3A_5 : i32
    %sign3A_7 = arith.constant 0 : i32
    %sign3A_8 = arith.cmpi sgt, %jit3A, %sign3A_7 : i32
    %sign3A_9 = arith.extui %sign3A_8 : i1 to i32
    %sign3A_10 = arith.constant 0 : i32
    %sign3A_11 = arith.cmpi slt, %jit3A, %sign3A_10 : i32
    %sign3A_12 = arith.extui %sign3A_11 : i1 to i32
    %sign3A_13 = arith.subi %sign3A_9, %sign3A_12 : i32
    %ne3A = arith.cmpi ne, %sign3A_6, %sign3A_13 : i32
    %rem3A = arith.remsi %add3A, %jit3A : i32
    %ne3A_14 = arith.constant 0 : i32
    %ne3A_15 = arith.cmpi ne, %rem3A, %ne3A_14 : i32
    %and3A = arith.andi %ne3A, %ne3A_15 : i1
    %sub3A = arith.constant 1 : i32
    %sub3A_16 = arith.subi %div3A, %sub3A : i32
    %select_n3A = arith.select %and3A, %sub3A_16, %div3A : i32
    %jit3A_17 = arith.constant 8 : i32
    %eq3A = arith.constant 0 : i32
    %eq3A_18 = arith.cmpi eq, %jit3A_17, %eq3A : i32
    %jit3A_19 = arith.constant 1 : i32
    %select_n3A_20 = arith.select %eq3A_18, %jit3A_19, %jit3A_17 : i32
    %rem3A_21 = arith.remsi %add3A, %select_n3A_20 : i32
    %ne3A_22 = arith.constant 0 : i32
    %ne3A_23 = arith.cmpi ne, %rem3A_21, %ne3A_22 : i32
    %lt3A = arith.constant 0 : i32
    %lt3A_24 = arith.cmpi slt, %rem3A_21, %lt3A : i32
    %lt3A_25 = arith.constant 0 : i32
    %lt3A_26 = arith.cmpi slt, %select_n3A_20, %lt3A_25 : i32
    %ne3A_27 = arith.xori %lt3A_24, %lt3A_26 : i1
    %and3A_28 = arith.andi %ne3A_27, %ne3A_23 : i1
    %add3A_29 = arith.addi %rem3A_21, %select_n3A_20 : i32
    %select_n3A_30 = arith.select %and3A_28, %add3A_29, %rem3A_21 : i32
    %mul3A_31 = arith.constant 32 : i32
    %mul3A_32 = arith.muli %select_n3A_30, %mul3A_31 : i32
    %add3A_33 = arith.constant 3840 : i32
    %add3A_34 = arith.addi %add3A_33, %mul3A_32 : i32
    %add3A_35 = arith.constant 0 : i32
    %add3A_36 = arith.addi %add3A_34, %add3A_35 : i32
    %dma_start3A = arith.constant 0 : i32
    %dma_start3A_37 = arith.constant 0 : i32
    %dma_start3A_38 = tpu.memref_slice %arg2[%select_n3A, %add3A_36, %dma_start3A, %dma_start3A_37] : memref<4x4096x8x128xf32, #tpu.memory_space<hbm>> -> memref<1x32x8x128xf32, #tpu.memory_space<hbm>>
    %dma_start3A_39 = tpu.memref_squeeze %dma_start3A_38 : memref<1x32x8x128xf32, #tpu.memory_space<hbm>> -> memref<32x8x128xf32, #tpu.memory_space<hbm>>
    %dma_start3A_40 = arith.constant 0 : i32
    %dma_start3A_41 = arith.constant 0 : i32
    %dma_start3A_42 = tpu.memref_slice %arg2[%select_n3A, %add3A_36, %dma_start3A_40, %dma_start3A_41] : memref<4x4096x8x128xf32, #tpu.memory_space<hbm>> -> memref<1x32x8x128xf32, #tpu.memory_space<hbm>>
    %dma_start3A_43 = tpu.memref_squeeze %dma_start3A_42 : memref<1x32x8x128xf32, #tpu.memory_space<hbm>> -> memref<32x8x128xf32, #tpu.memory_space<hbm>>
    tpu.enqueue_dma source(%dma_start3A_43 : memref<32x8x128xf32, #tpu.memory_space<hbm>>) target(%arg4 : memref<32x8x128xf32, #tpu.memory_space<vmem>>) target_semaphore(%arg7 : memref<!tpu.dma_semaphore, #tpu.memory_space<semaphore_mem>>)
    %broadcast_in_dim3A = arith.constant 0.000000e+00 : f32
    %broadcast_in_dim3A_44 = vector.broadcast %broadcast_in_dim3A : f32 to vector<16xf32>
    %dma_wait3A = arith.constant 0 : i32
    %dma_wait3A_45 = arith.constant 0 : i32
    %dma_wait3A_46 = tpu.memref_slice %arg2[%select_n3A, %add3A_36, %dma_wait3A, %dma_wait3A_45] : memref<4x4096x8x128xf32, #tpu.memory_space<hbm>> -> memref<1x32x8x128xf32, #tpu.memory_space<hbm>>
    %dma_wait3A_47 = tpu.memref_squeeze %dma_wait3A_46 : memref<1x32x8x128xf32, #tpu.memory_space<hbm>> -> memref<32x8x128xf32, #tpu.memory_space<hbm>>
    %dma_wait3A_48 = arith.constant 0 : i32
    %dma_wait3A_49 = arith.constant 0 : i32
    %dma_wait3A_50 = tpu.memref_slice %arg2[%select_n3A, %add3A_36, %dma_wait3A_48, %dma_wait3A_49] : memref<4x4096x8x128xf32, #tpu.memory_space<hbm>> -> memref<1x32x8x128xf32, #tpu.memory_space<hbm>>
    %dma_wait3A_51 = tpu.memref_squeeze %dma_wait3A_50 : memref<1x32x8x128xf32, #tpu.memory_space<hbm>> -> memref<32x8x128xf32, #tpu.memory_space<hbm>>
    tpu.wait_dma2 semaphore(%arg7 : memref<!tpu.dma_semaphore, #tpu.memory_space<semaphore_mem>>) src(%dma_wait3A_51 : memref<32x8x128xf32, #tpu.memory_space<hbm>>) dst(%arg4 : memref<32x8x128xf32, #tpu.memory_space<vmem>>)
    %scan3A = arith.constant 0 : i32
    %scan3A_52 = arith.constant 32 : i32
    %scan3A_53 = arith.addi %scan3A, %scan3A_52 : i32
    %scan3A_54 = arith.constant 1 : i32
    %scan3A_55:8 = scf.for %scan3A_90 = %scan3A to %scan3A_53 step %scan3A_54 iter_args(%scan3A_91 = %broadcast_in_dim3A_44, %scan3A_92 = %broadcast_in_dim3A_44, %scan3A_93 = %broadcast_in_dim3A_44, %scan3A_94 = %broadcast_in_dim3A_44, %scan3A_95 = %broadcast_in_dim3A_44, %scan3A_96 = %broadcast_in_dim3A_44, %scan3A_97 = %broadcast_in_dim3A_44, %scan3A_98 = %broadcast_in_dim3A_44) -> (vector<16xf32>, vector<16xf32>, vector<16xf32>, vector<16xf32>, vector<16xf32>, vector<16xf32>, vector<16xf32>, vector<16xf32>)  : i32 {
      %get3A = arith.constant 0 : i32
      %get3A_99 = arith.index_cast %scan3A_90 : i32 to index
      %get3A_100 = arith.index_cast %get3A : i32 to index
      %get3A_101 = arith.constant 0 : index
      %get3A_102 = tpu.vector_load %arg4[%get3A_99, %get3A_100, %get3A_101] {strides = array<i32>} : memref<32x8x128xf32, #tpu.memory_space<vmem>>, vector<1x1x16xf32>,
      %get3A_103 = vector.shape_cast %get3A_102 : vector<1x1x16xf32> to vector<16xf32>
      %add3A_104 = arith.addf %scan3A_91, %get3A_103 : vector<16xf32>
      %get3A_105 = arith.constant 0 : i32
      %get3A_106 = arith.index_cast %scan3A_90 : i32 to index
      %get3A_107 = arith.index_cast %get3A_105 : i32 to index
      %get3A_108 = arith.constant 16 : index
      %get3A_109 = tpu.vector_load %arg4[%get3A_106, %get3A_107, %get3A_108] {strides = array<i32>} : memref<32x8x128xf32, #tpu.memory_space<vmem>>, vector<1x1x16xf32>,
      %get3A_110 = vector.shape_cast %get3A_109 : vector<1x1x16xf32> to vector<16xf32>
      %add3A_111 = arith.addf %add3A_104, %get3A_110 : vector<16xf32>
      %get3A_112 = arith.constant 0 : i32
      %get3A_113 = arith.index_cast %scan3A_90 : i32 to index
      %get3A_114 = arith.index_cast %get3A_112 : i32 to index
      %get3A_115 = arith.constant 32 : index
      %get3A_116 = tpu.vector_load %arg4[%get3A_113, %get3A_114, %get3A_115] {strides = array<i32>} : memref<32x8x128xf32, #tpu.memory_space<vmem>>, vector<1x1x16xf32>,
      %get3A_117 = vector.shape_cast %get3A_116 : vector<1x1x16xf32> to vector<16xf32>
      %add3A_118 = arith.addf %add3A_111, %get3A_117 : vector<16xf32>
      %get3A_119 = arith.constant 0 : i32
      %get3A_120 = arith.index_cast %scan3A_90 : i32 to index
      %get3A_121 = arith.index_cast %get3A_119 : i32 to index
      %get3A_122 = arith.constant 48 : index
      %get3A_123 = tpu.vector_load %arg4[%get3A_120, %get3A_121, %get3A_122] {strides = array<i32>} : memref<32x8x128xf32, #tpu.memory_space<vmem>>, vector<1x1x16xf32>,
      %get3A_124 = vector.shape_cast %get3A_123 : vector<1x1x16xf32> to vector<16xf32>
      %add3A_125 = arith.addf %add3A_118, %get3A_124 : vector<16xf32>
      %get3A_126 = arith.constant 0 : i32
      %get3A_127 = arith.index_cast %scan3A_90 : i32 to index
      %get3A_128 = arith.index_cast %get3A_126 : i32 to index
      %get3A_129 = arith.constant 64 : index
      %get3A_130 = tpu.vector_load %arg4[%get3A_127, %get3A_128, %get3A_129] {strides = array<i32>} : memref<32x8x128xf32, #tpu.memory_space<vmem>>, vector<1x1x16xf32>,
      %get3A_131 = vector.shape_cast %get3A_130 : vector<1x1x16xf32> to vector<16xf32>
      %add3A_132 = arith.addf %add3A_125, %get3A_131 : vector<16xf32>
      %get3A_133 = arith.constant 0 : i32
      %get3A_134 = arith.index_cast %scan3A_90 : i32 to index
      %get3A_135 = arith.index_cast %get3A_133 : i32 to index
      %get3A_136 = arith.constant 80 : index
      %get3A_137 = tpu.vector_load %arg4[%get3A_134, %get3A_135, %get3A_136] {strides = array<i32>} : memref<32x8x128xf32, #tpu.memory_space<vmem>>, vector<1x1x16xf32>,
      %get3A_138 = vector.shape_cast %get3A_137 : vector<1x1x16xf32> to vector<16xf32>
      %add3A_139 = arith.addf %add3A_132, %get3A_138 : vector<16xf32>
      %get3A_140 = arith.constant 0 : i32
      %get3A_141 = arith.index_cast %scan3A_90 : i32 to index
      %get3A_142 = arith.index_cast %get3A_140 : i32 to index
      %get3A_143 = arith.constant 96 : index
      %get3A_144 = tpu.vector_load %arg4[%get3A_141, %get3A_142, %get3A_143] {strides = array<i32>} : memref<32x8x128xf32, #tpu.memory_space<vmem>>, vector<1x1x16xf32>,
      %get3A_145 = vector.shape_cast %get3A_144 : vector<1x1x16xf32> to vector<16xf32>
      %add3A_146 = arith.addf %add3A_139, %get3A_145 : vector<16xf32>
      %get3A_147 = arith.constant 0 : i32
      %get3A_148 = arith.index_cast %scan3A_90 : i32 to index
      %get3A_149 = arith.index_cast %get3A_147 : i32 to index
      %get3A_150 = arith.constant 112 : index
      %get3A_151 = tpu.vector_load %arg4[%get3A_148, %get3A_149, %get3A_150] {strides = array<i32>} : memref<32x8x128xf32, #tpu.memory_space<vmem>>, vector<1x1x16xf32>,
      %get3A_152 = vector.shape_cast %get3A_151 : vector<1x1x16xf32> to vector<16xf32>
      %add3A_153 = arith.addf %add3A_146, %get3A_152 : vector<16xf32>
      %get3A_154 = arith.constant 1 : i32
      %get3A_155 = arith.index_cast %scan3A_90 : i32 to index
      %get3A_156 = arith.index_cast %get3A_154 : i32 to index
      %get3A_157 = arith.constant 0 : index
      %get3A_158 = tpu.vector_load %arg4[%get3A_155, %get3A_156, %get3A_157] {strides = array<i32>} : memref<32x8x128xf32, #tpu.memory_space<vmem>>, vector<1x1x16xf32>,
      %get3A_159 = vector.shape_cast %get3A_158 : vector<1x1x16xf32> to vector<16xf32>
      %add3A_160 = arith.addf %scan3A_92, %get3A_159 : vector<16xf32>
      %get3A_161 = arith.constant 1 : i32
      %get3A_162 = arith.index_cast %scan3A_90 : i32 to index
      %get3A_163 = arith.index_cast %get3A_161 : i32 to index
      %get3A_164 = arith.constant 16 : index
      %get3A_165 = tpu.vector_load %arg4[%get3A_162, %get3A_163, %get3A_164] {strides = array<i32>} : memref<32x8x128xf32, #tpu.memory_space<vmem>>, vector<1x1x16xf32>,
      %get3A_166 = vector.shape_cast %get3A_165 : vector<1x1x16xf32> to vector<16xf32>
      %add3A_167 = arith.addf %add3A_160, %get3A_166 : vector<16xf32>
      %get3A_168 = arith.constant 1 : i32
      %get3A_169 = arith.index_cast %scan3A_90 : i32 to index
      %get3A_170 = arith.index_cast %get3A_168 : i32 to index
      %get3A_171 = arith.constant 32 : index
      %get3A_172 = tpu.vector_load %arg4[%get3A_169, %get3A_170, %get3A_171] {strides = array<i32>} : memref<32x8x128xf32, #tpu.memory_space<vmem>>, vector<1x1x16xf32>,
      %get3A_173 = vector.shape_cast %get3A_172 : vector<1x1x16xf32> to vector<16xf32>
      %add3A_174 = arith.addf %add3A_167, %get3A_173 : vector<16xf32>
      %get3A_175 = arith.constant 1 : i32
      %get3A_176 = arith.index_cast %scan3A_90 : i32 to index
      %get3A_177 = arith.index_cast %get3A_175 : i32 to index
      %get3A_178 = arith.constant 48 : index
      %get3A_179 = tpu.vector_load %arg4[%get3A_176, %get3A_177, %get3A_178] {strides = array<i32>} : memref<32x8x128xf32, #tpu.memory_space<vmem>>, vector<1x1x16xf32>,
      %get3A_180 = vector.shape_cast %get3A_179 : vector<1x1x16xf32> to vector<16xf32>
      %add3A_181 = arith.addf %add3A_174, %get3A_180 : vector<16xf32>
      %get3A_182 = arith.constant 1 : i32
      %get3A_183 = arith.index_cast %scan3A_90 : i32 to index
      %get3A_184 = arith.index_cast %get3A_182 : i32 to index
      %get3A_185 = arith.constant 64 : index
      %get3A_186 = tpu.vector_load %arg4[%get3A_183, %get3A_184, %get3A_185] {strides = array<i32>} : memref<32x8x128xf32, #tpu.memory_space<vmem>>, vector<1x1x16xf32>,
      %get3A_187 = vector.shape_cast %get3A_186 : vector<1x1x16xf32> to vector<16xf32>
      %add3A_188 = arith.addf %add3A_181, %get3A_187 : vector<16xf32>
      %get3A_189 = arith.constant 1 : i32
      %get3A_190 = arith.index_cast %scan3A_90 : i32 to index
      %get3A_191 = arith.index_cast %get3A_189 : i32 to index
      %get3A_192 = arith.constant 80 : index
      %get3A_193 = tpu.vector_load %arg4[%get3A_190, %get3A_191, %get3A_192] {strides = array<i32>} : memref<32x8x128xf32, #tpu.memory_space<vmem>>, vector<1x1x16xf32>,
      %get3A_194 = vector.shape_cast %get3A_193 : vector<1x1x16xf32> to vector<16xf32>
      %add3A_195 = arith.addf %add3A_188, %get3A_194 : vector<16xf32>
      %get3A_196 = arith.constant 1 : i32
      %get3A_197 = arith.index_cast %scan3A_90 : i32 to index
      %get3A_198 = arith.index_cast %get3A_196 : i32 to index
      %get3A_199 = arith.constant 96 : index
      %get3A_200 = tpu.vector_load %arg4[%get3A_197, %get3A_198, %get3A_199] {strides = array<i32>} : memref<32x8x128xf32, #tpu.memory_space<vmem>>, vector<1x1x16xf32>,
      %get3A_201 = vector.shape_cast %get3A_200 : vector<1x1x16xf32> to vector<16xf32>
      %add3A_202 = arith.addf %add3A_195, %get3A_201 : vector<16xf32>
      %get3A_203 = arith.constant 1 : i32
      %get3A_204 = arith.index_cast %scan3A_90 : i32 to index
      %get3A_205 = arith.index_cast %get3A_203 : i32 to index
      %get3A_206 = arith.constant 112 : index
      %get3A_207 = tpu.vector_load %arg4[%get3A_204, %get3A_205, %get3A_206] {strides = array<i32>} : memref<32x8x128xf32, #tpu.memory_space<vmem>>, vector<1x1x16xf32>,
      %get3A_208 = vector.shape_cast %get3A_207 : vector<1x1x16xf32> to vector<16xf32>
      %add3A_209 = arith.addf %add3A_202, %get3A_208 : vector<16xf32>
      %get3A_210 = arith.constant 2 : i32
      %get3A_211 = arith.index_cast %scan3A_90 : i32 to index
      %get3A_212 = arith.index_cast %get3A_210 : i32 to index
      %get3A_213 = arith.constant 0 : index
      %get3A_214 = tpu.vector_load %arg4[%get3A_211, %get3A_212, %get3A_213] {strides = array<i32>} : memref<32x8x128xf32, #tpu.memory_space<vmem>>, vector<1x1x16xf32>,
      %get3A_215 = vector.shape_cast %get3A_214 : vector<1x1x16xf32> to vector<16xf32>
      %add3A_216 = arith.addf %scan3A_93, %get3A_215 : vector<16xf32>
      %get3A_217 = arith.constant 2 : i32
      %get3A_218 = arith.index_cast %scan3A_90 : i32 to index
      %get3A_219 = arith.index_cast %get3A_217 : i32 to index
      %get3A_220 = arith.constant 16 : index
      %get3A_221 = tpu.vector_load %arg4[%get3A_218, %get3A_219, %get3A_220] {strides = array<i32>} : memref<32x8x128xf32, #tpu.memory_space<vmem>>, vector<1x1x16xf32>,
      %get3A_222 = vector.shape_cast %get3A_221 : vector<1x1x16xf32> to vector<16xf32>
      %add3A_223 = arith.addf %add3A_216, %get3A_222 : vector<16xf32>
      %get3A_224 = arith.constant 2 : i32
      %get3A_225 = arith.index_cast %scan3A_90 : i32 to index
      %get3A_226 = arith.index_cast %get3A_224 : i32 to index
      %get3A_227 = arith.constant 32 : index
      %get3A_228 = tpu.vector_load %arg4[%get3A_225, %get3A_226, %get3A_227] {strides = array<i32>} : memref<32x8x128xf32, #tpu.memory_space<vmem>>, vector<1x1x16xf32>,
      %get3A_229 = vector.shape_cast %get3A_228 : vector<1x1x16xf32> to vector<16xf32>
      %add3A_230 = arith.addf %add3A_223, %get3A_229 : vector<16xf32>
      %get3A_231 = arith.constant 2 : i32
      %get3A_232 = arith.index_cast %scan3A_90 : i32 to index
      %get3A_233 = arith.index_cast %get3A_231 : i32 to index
      %get3A_234 = arith.constant 48 : index
      %get3A_235 = tpu.vector_load %arg4[%get3A_232, %get3A_233, %get3A_234] {strides = array<i32>} : memref<32x8x128xf32, #tpu.memory_space<vmem>>, vector<1x1x16xf32>,
      %get3A_236 = vector.shape_cast %get3A_235 : vector<1x1x16xf32> to vector<16xf32>
      %add3A_237 = arith.addf %add3A_230, %get3A_236 : vector<16xf32>
      %get3A_238 = arith.constant 2 : i32
      %get3A_239 = arith.index_cast %scan3A_90 : i32 to index
      %get3A_240 = arith.index_cast %get3A_238 : i32 to index
      %get3A_241 = arith.constant 64 : index
      %get3A_242 = tpu.vector_load %arg4[%get3A_239, %get3A_240, %get3A_241] {strides = array<i32>} : memref<32x8x128xf32, #tpu.memory_space<vmem>>, vector<1x1x16xf32>,
      %get3A_243 = vector.shape_cast %get3A_242 : vector<1x1x16xf32> to vector<16xf32>
      %add3A_244 = arith.addf %add3A_237, %get3A_243 : vector<16xf32>
      %get3A_245 = arith.constant 2 : i32
      %get3A_246 = arith.index_cast %scan3A_90 : i32 to index
      %get3A_247 = arith.index_cast %get3A_245 : i32 to index
      %get3A_248 = arith.constant 80 : index
      %get3A_249 = tpu.vector_load %arg4[%get3A_246, %get3A_247, %get3A_248] {strides = array<i32>} : memref<32x8x128xf32, #tpu.memory_space<vmem>>, vector<1x1x16xf32>,
      %get3A_250 = vector.shape_cast %get3A_249 : vector<1x1x16xf32> to vector<16xf32>
      %add3A_251 = arith.addf %add3A_244, %get3A_250 : vector<16xf32>
      %get3A_252 = arith.constant 2 : i32
      %get3A_253 = arith.index_cast %scan3A_90 : i32 to index
      %get3A_254 = arith.index_cast %get3A_252 : i32 to index
      %get3A_255 = arith.constant 96 : index
      %get3A_256 = tpu.vector_load %arg4[%get3A_253, %get3A_254, %get3A_255] {strides = array<i32>} : memref<32x8x128xf32, #tpu.memory_space<vmem>>, vector<1x1x16xf32>,
      %get3A_257 = vector.shape_cast %get3A_256 : vector<1x1x16xf32> to vector<16xf32>
      %add3A_258 = arith.addf %add3A_251, %get3A_257 : vector<16xf32>
      %get3A_259 = arith.constant 2 : i32
      %get3A_260 = arith.index_cast %scan3A_90 : i32 to index
      %get3A_261 = arith.index_cast %get3A_259 : i32 to index
      %get3A_262 = arith.constant 112 : index
      %get3A_263 = tpu.vector_load %arg4[%get3A_260, %get3A_261, %get3A_262] {strides = array<i32>} : memref<32x8x128xf32, #tpu.memory_space<vmem>>, vector<1x1x16xf32>,
      %get3A_264 = vector.shape_cast %get3A_263 : vector<1x1x16xf32> to vector<16xf32>
      %add3A_265 = arith.addf %add3A_258, %get3A_264 : vector<16xf32>
      %get3A_266 = arith.constant 3 : i32
      %get3A_267 = arith.index_cast %scan3A_90 : i32 to index
      %get3A_268 = arith.index_cast %get3A_266 : i32 to index
      %get3A_269 = arith.constant 0 : index
      %get3A_270 = tpu.vector_load %arg4[%get3A_267, %get3A_268, %get3A_269] {strides = array<i32>} : memref<32x8x128xf32, #tpu.memory_space<vmem>>, vector<1x1x16xf32>,
      %get3A_271 = vector.shape_cast %get3A_270 : vector<1x1x16xf32> to vector<16xf32>
      %add3A_272 = arith.addf %scan3A_94, %get3A_271 : vector<16xf32>
      %get3A_273 = arith.constant 3 : i32
      %get3A_274 = arith.index_cast %scan3A_90 : i32 to index
      %get3A_275 = arith.index_cast %get3A_273 : i32 to index
      %get3A_276 = arith.constant 16 : index
      %get3A_277 = tpu.vector_load %arg4[%get3A_274, %get3A_275, %get3A_276] {strides = array<i32>} : memref<32x8x128xf32, #tpu.memory_space<vmem>>, vector<1x1x16xf32>,
      %get3A_278 = vector.shape_cast %get3A_277 : vector<1x1x16xf32> to vector<16xf32>
      %add3A_279 = arith.addf %add3A_272, %get3A_278 : vector<16xf32>
      %get3A_280 = arith.constant 3 : i32
      %get3A_281 = arith.index_cast %scan3A_90 : i32 to index
      %get3A_282 = arith.index_cast %get3A_280 : i32 to index
      %get3A_283 = arith.constant 32 : index
      %get3A_284 = tpu.vector_load %arg4[%get3A_281, %get3A_282, %get3A_283] {strides = array<i32>} : memref<32x8x128xf32, #tpu.memory_space<vmem>>, vector<1x1x16xf32>,
      %get3A_285 = vector.shape_cast %get3A_284 : vector<1x1x16xf32> to vector<16xf32>
      %add3A_286 = arith.addf %add3A_279, %get3A_285 : vector<16xf32>
      %get3A_287 = arith.constant 3 : i32
      %get3A_288 = arith.index_cast %scan3A_90 : i32 to index
      %get3A_289 = arith.index_cast %get3A_287 : i32 to index
      %get3A_290 = arith.constant 48 : index
      %get3A_291 = tpu.vector_load %arg4[%get3A_288, %get3A_289, %get3A_290] {strides = array<i32>} : memref<32x8x128xf32, #tpu.memory_space<vmem>>, vector<1x1x16xf32>,
      %get3A_292 = vector.shape_cast %get3A_291 : vector<1x1x16xf32> to vector<16xf32>
      %add3A_293 = arith.addf %add3A_286, %get3A_292 : vector<16xf32>
      %get3A_294 = arith.constant 3 : i32
      %get3A_295 = arith.index_cast %scan3A_90 : i32 to index
      %get3A_296 = arith.index_cast %get3A_294 : i32 to index
      %get3A_297 = arith.constant 64 : index
      %get3A_298 = tpu.vector_load %arg4[%get3A_295, %get3A_296, %get3A_297] {strides = array<i32>} : memref<32x8x128xf32, #tpu.memory_space<vmem>>, vector<1x1x16xf32>,
      %get3A_299 = vector.shape_cast %get3A_298 : vector<1x1x16xf32> to vector<16xf32>
      %add3A_300 = arith.addf %add3A_293, %get3A_299 : vector<16xf32>
      %get3A_301 = arith.constant 3 : i32
      %get3A_302 = arith.index_cast %scan3A_90 : i32 to index
      %get3A_303 = arith.index_cast %get3A_301 : i32 to index
      %get3A_304 = arith.constant 80 : index
      %get3A_305 = tpu.vector_load %arg4[%get3A_302, %get3A_303, %get3A_304] {strides = array<i32>} : memref<32x8x128xf32, #tpu.memory_space<vmem>>, vector<1x1x16xf32>,
      %get3A_306 = vector.shape_cast %get3A_305 : vector<1x1x16xf32> to vector<16xf32>
      %add3A_307 = arith.addf %add3A_300, %get3A_306 : vector<16xf32>
      %get3A_308 = arith.constant 3 : i32
      %get3A_309 = arith.index_cast %scan3A_90 : i32 to index
      %get3A_310 = arith.index_cast %get3A_308 : i32 to index
      %get3A_311 = arith.constant 96 : index
      %get3A_312 = tpu.vector_load %arg4[%get3A_309, %get3A_310, %get3A_311] {strides = array<i32>} : memref<32x8x128xf32, #tpu.memory_space<vmem>>, vector<1x1x16xf32>,
      %get3A_313 = vector.shape_cast %get3A_312 : vector<1x1x16xf32> to vector<16xf32>
      %add3A_314 = arith.addf %add3A_307, %get3A_313 : vector<16xf32>
      %get3A_315 = arith.constant 3 : i32
      %get3A_316 = arith.index_cast %scan3A_90 : i32 to index
      %get3A_317 = arith.index_cast %get3A_315 : i32 to index
      %get3A_318 = arith.constant 112 : index
      %get3A_319 = tpu.vector_load %arg4[%get3A_316, %get3A_317, %get3A_318] {strides = array<i32>} : memref<32x8x128xf32, #tpu.memory_space<vmem>>, vector<1x1x16xf32>,
      %get3A_320 = vector.shape_cast %get3A_319 : vector<1x1x16xf32> to vector<16xf32>
      %add3A_321 = arith.addf %add3A_314, %get3A_320 : vector<16xf32>
      %get3A_322 = arith.constant 4 : i32
      %get3A_323 = arith.index_cast %scan3A_90 : i32 to index
      %get3A_324 = arith.index_cast %get3A_322 : i32 to index
      %get3A_325 = arith.constant 0 : index
      %get3A_326 = tpu.vector_load %arg4[%get3A_323, %get3A_324, %get3A_325] {strides = array<i32>} : memref<32x8x128xf32, #tpu.memory_space<vmem>>, vector<1x1x16xf32>,
      %get3A_327 = vector.shape_cast %get3A_326 : vector<1x1x16xf32> to vector<16xf32>
      %add3A_328 = arith.addf %scan3A_95, %get3A_327 : vector<16xf32>
      %get3A_329 = arith.constant 4 : i32
      %get3A_330 = arith.index_cast %scan3A_90 : i32 to index
      %get3A_331 = arith.index_cast %get3A_329 : i32 to index
      %get3A_332 = arith.constant 16 : index
      %get3A_333 = tpu.vector_load %arg4[%get3A_330, %get3A_331, %get3A_332] {strides = array<i32>} : memref<32x8x128xf32, #tpu.memory_space<vmem>>, vector<1x1x16xf32>,
      %get3A_334 = vector.shape_cast %get3A_333 : vector<1x1x16xf32> to vector<16xf32>
      %add3A_335 = arith.addf %add3A_328, %get3A_334 : vector<16xf32>
      %get3A_336 = arith.constant 4 : i32
      %get3A_337 = arith.index_cast %scan3A_90 : i32 to index
      %get3A_338 = arith.index_cast %get3A_336 : i32 to index
      %get3A_339 = arith.constant 32 : index
      %get3A_340 = tpu.vector_load %arg4[%get3A_337, %get3A_338, %get3A_339] {strides = array<i32>} : memref<32x8x128xf32, #tpu.memory_space<vmem>>, vector<1x1x16xf32>,
      %get3A_341 = vector.shape_cast %get3A_340 : vector<1x1x16xf32> to vector<16xf32>
      %add3A_342 = arith.addf %add3A_335, %get3A_341 : vector<16xf32>
      %get3A_343 = arith.constant 4 : i32
      %get3A_344 = arith.index_cast %scan3A_90 : i32 to index
      %get3A_345 = arith.index_cast %get3A_343 : i32 to index
      %get3A_346 = arith.constant 48 : index
      %get3A_347 = tpu.vector_load %arg4[%get3A_344, %get3A_345, %get3A_346] {strides = array<i32>} : memref<32x8x128xf32, #tpu.memory_space<vmem>>, vector<1x1x16xf32>,
      %get3A_348 = vector.shape_cast %get3A_347 : vector<1x1x16xf32> to vector<16xf32>
      %add3A_349 = arith.addf %add3A_342, %get3A_348 : vector<16xf32>
      %get3A_350 = arith.constant 4 : i32
      %get3A_351 = arith.index_cast %scan3A_90 : i32 to index
      %get3A_352 = arith.index_cast %get3A_350 : i32 to index
      %get3A_353 = arith.constant 64 : index
      %get3A_354 = tpu.vector_load %arg4[%get3A_351, %get3A_352, %get3A_353] {strides = array<i32>} : memref<32x8x128xf32, #tpu.memory_space<vmem>>, vector<1x1x16xf32>,
      %get3A_355 = vector.shape_cast %get3A_354 : vector<1x1x16xf32> to vector<16xf32>
      %add3A_356 = arith.addf %add3A_349, %get3A_355 : vector<16xf32>
      %get3A_357 = arith.constant 4 : i32
      %get3A_358 = arith.index_cast %scan3A_90 : i32 to index
      %get3A_359 = arith.index_cast %get3A_357 : i32 to index
      %get3A_360 = arith.constant 80 : index
      %get3A_361 = tpu.vector_load %arg4[%get3A_358, %get3A_359, %get3A_360] {strides = array<i32>} : memref<32x8x128xf32, #tpu.memory_space<vmem>>, vector<1x1x16xf32>,
      %get3A_362 = vector.shape_cast %get3A_361 : vector<1x1x16xf32> to vector<16xf32>
      %add3A_363 = arith.addf %add3A_356, %get3A_362 : vector<16xf32>
      %get3A_364 = arith.constant 4 : i32
      %get3A_365 = arith.index_cast %scan3A_90 : i32 to index
      %get3A_366 = arith.index_cast %get3A_364 : i32 to index
      %get3A_367 = arith.constant 96 : index
      %get3A_368 = tpu.vector_load %arg4[%get3A_365, %get3A_366, %get3A_367] {strides = array<i32>} : memref<32x8x128xf32, #tpu.memory_space<vmem>>, vector<1x1x16xf32>,
      %get3A_369 = vector.shape_cast %get3A_368 : vector<1x1x16xf32> to vector<16xf32>
      %add3A_370 = arith.addf %add3A_363, %get3A_369 : vector<16xf32>
      %get3A_371 = arith.constant 4 : i32
      %get3A_372 = arith.index_cast %scan3A_90 : i32 to index
      %get3A_373 = arith.index_cast %get3A_371 : i32 to index
      %get3A_374 = arith.constant 112 : index
      %get3A_375 = tpu.vector_load %arg4[%get3A_372, %get3A_373, %get3A_374] {strides = array<i32>} : memref<32x8x128xf32, #tpu.memory_space<vmem>>, vector<1x1x16xf32>,
      %get3A_376 = vector.shape_cast %get3A_375 : vector<1x1x16xf32> to vector<16xf32>
      %add3A_377 = arith.addf %add3A_370, %get3A_376 : vector<16xf32>
      %get3A_378 = arith.constant 5 : i32
      %get3A_379 = arith.index_cast %scan3A_90 : i32 to index
      %get3A_380 = arith.index_cast %get3A_378 : i32 to index
      %get3A_381 = arith.constant 0 : index
      %get3A_382 = tpu.vector_load %arg4[%get3A_379, %get3A_380, %get3A_381] {strides = array<i32>} : memref<32x8x128xf32, #tpu.memory_space<vmem>>, vector<1x1x16xf32>,
      %get3A_383 = vector.shape_cast %get3A_382 : vector<1x1x16xf32> to vector<16xf32>
      %add3A_384 = arith.addf %scan3A_96, %get3A_383 : vector<16xf32>
      %get3A_385 = arith.constant 5 : i32
      %get3A_386 = arith.index_cast %scan3A_90 : i32 to index
      %get3A_387 = arith.index_cast %get3A_385 : i32 to index
      %get3A_388 = arith.constant 16 : index
      %get3A_389 = tpu.vector_load %arg4[%get3A_386, %get3A_387, %get3A_388] {strides = array<i32>} : memref<32x8x128xf32, #tpu.memory_space<vmem>>, vector<1x1x16xf32>,
      %get3A_390 = vector.shape_cast %get3A_389 : vector<1x1x16xf32> to vector<16xf32>
      %add3A_391 = arith.addf %add3A_384, %get3A_390 : vector<16xf32>
      %get3A_392 = arith.constant 5 : i32
      %get3A_393 = arith.index_cast %scan3A_90 : i32 to index
      %get3A_394 = arith.index_cast %get3A_392 : i32 to index
      %get3A_395 = arith.constant 32 : index
      %get3A_396 = tpu.vector_load %arg4[%get3A_393, %get3A_394, %get3A_395] {strides = array<i32>} : memref<32x8x128xf32, #tpu.memory_space<vmem>>, vector<1x1x16xf32>,
      %get3A_397 = vector.shape_cast %get3A_396 : vector<1x1x16xf32> to vector<16xf32>
      %add3A_398 = arith.addf %add3A_391, %get3A_397 : vector<16xf32>
      %get3A_399 = arith.constant 5 : i32
      %get3A_400 = arith.index_cast %scan3A_90 : i32 to index
      %get3A_401 = arith.index_cast %get3A_399 : i32 to index
      %get3A_402 = arith.constant 48 : index
      %get3A_403 = tpu.vector_load %arg4[%get3A_400, %get3A_401, %get3A_402] {strides = array<i32>} : memref<32x8x128xf32, #tpu.memory_space<vmem>>, vector<1x1x16xf32>,
      %get3A_404 = vector.shape_cast %get3A_403 : vector<1x1x16xf32> to vector<16xf32>
      %add3A_405 = arith.addf %add3A_398, %get3A_404 : vector<16xf32>
      %get3A_406 = arith.constant 5 : i32
      %get3A_407 = arith.index_cast %scan3A_90 : i32 to index
      %get3A_408 = arith.index_cast %get3A_406 : i32 to index
      %get3A_409 = arith.constant 64 : index
      %get3A_410 = tpu.vector_load %arg4[%get3A_407, %get3A_408, %get3A_409] {strides = array<i32>} : memref<32x8x128xf32, #tpu.memory_space<vmem>>, vector<1x1x16xf32>,
      %get3A_411 = vector.shape_cast %get3A_410 : vector<1x1x16xf32> to vector<16xf32>
      %add3A_412 = arith.addf %add3A_405, %get3A_411 : vector<16xf32>
      %get3A_413 = arith.constant 5 : i32
      %get3A_414 = arith.index_cast %scan3A_90 : i32 to index
      %get3A_415 = arith.index_cast %get3A_413 : i32 to index
      %get3A_416 = arith.constant 80 : index
      %get3A_417 = tpu.vector_load %arg4[%get3A_414, %get3A_415, %get3A_416] {strides = array<i32>} : memref<32x8x128xf32, #tpu.memory_space<vmem>>, vector<1x1x16xf32>,
      %get3A_418 = vector.shape_cast %get3A_417 : vector<1x1x16xf32> to vector<16xf32>
      %add3A_419 = arith.addf %add3A_412, %get3A_418 : vector<16xf32>
      %get3A_420 = arith.constant 5 : i32
      %get3A_421 = arith.index_cast %scan3A_90 : i32 to index
      %get3A_422 = arith.index_cast %get3A_420 : i32 to index
      %get3A_423 = arith.constant 96 : index
      %get3A_424 = tpu.vector_load %arg4[%get3A_421, %get3A_422, %get3A_423] {strides = array<i32>} : memref<32x8x128xf32, #tpu.memory_space<vmem>>, vector<1x1x16xf32>,
      %get3A_425 = vector.shape_cast %get3A_424 : vector<1x1x16xf32> to vector<16xf32>
      %add3A_426 = arith.addf %add3A_419, %get3A_425 : vector<16xf32>
      %get3A_427 = arith.constant 5 : i32
      %get3A_428 = arith.index_cast %scan3A_90 : i32 to index
      %get3A_429 = arith.index_cast %get3A_427 : i32 to index
      %get3A_430 = arith.constant 112 : index
      %get3A_431 = tpu.vector_load %arg4[%get3A_428, %get3A_429, %get3A_430] {strides = array<i32>} : memref<32x8x128xf32, #tpu.memory_space<vmem>>, vector<1x1x16xf32>,
      %get3A_432 = vector.shape_cast %get3A_431 : vector<1x1x16xf32> to vector<16xf32>
      %add3A_433 = arith.addf %add3A_426, %get3A_432 : vector<16xf32>
      %get3A_434 = arith.constant 6 : i32
      %get3A_435 = arith.index_cast %scan3A_90 : i32 to index
      %get3A_436 = arith.index_cast %get3A_434 : i32 to index
      %get3A_437 = arith.constant 0 : index
      %get3A_438 = tpu.vector_load %arg4[%get3A_435, %get3A_436, %get3A_437] {strides = array<i32>} : memref<32x8x128xf32, #tpu.memory_space<vmem>>, vector<1x1x16xf32>,
      %get3A_439 = vector.shape_cast %get3A_438 : vector<1x1x16xf32> to vector<16xf32>
      %add3A_440 = arith.addf %scan3A_97, %get3A_439 : vector<16xf32>
      %get3A_441 = arith.constant 6 : i32
      %get3A_442 = arith.index_cast %scan3A_90 : i32 to index
      %get3A_443 = arith.index_cast %get3A_441 : i32 to index
      %get3A_444 = arith.constant 16 : index
      %get3A_445 = tpu.vector_load %arg4[%get3A_442, %get3A_443, %get3A_444] {strides = array<i32>} : memref<32x8x128xf32, #tpu.memory_space<vmem>>, vector<1x1x16xf32>,
      %get3A_446 = vector.shape_cast %get3A_445 : vector<1x1x16xf32> to vector<16xf32>
      %add3A_447 = arith.addf %add3A_440, %get3A_446 : vector<16xf32>
      %get3A_448 = arith.constant 6 : i32
      %get3A_449 = arith.index_cast %scan3A_90 : i32 to index
      %get3A_450 = arith.index_cast %get3A_448 : i32 to index
      %get3A_451 = arith.constant 32 : index
      %get3A_452 = tpu.vector_load %arg4[%get3A_449, %get3A_450, %get3A_451] {strides = array<i32>} : memref<32x8x128xf32, #tpu.memory_space<vmem>>, vector<1x1x16xf32>,
      %get3A_453 = vector.shape_cast %get3A_452 : vector<1x1x16xf32> to vector<16xf32>
      %add3A_454 = arith.addf %add3A_447, %get3A_453 : vector<16xf32>
      %get3A_455 = arith.constant 6 : i32
      %get3A_456 = arith.index_cast %scan3A_90 : i32 to index
      %get3A_457 = arith.index_cast %get3A_455 : i32 to index
      %get3A_458 = arith.constant 48 : index
      %get3A_459 = tpu.vector_load %arg4[%get3A_456, %get3A_457, %get3A_458] {strides = array<i32>} : memref<32x8x128xf32, #tpu.memory_space<vmem>>, vector<1x1x16xf32>,
      %get3A_460 = vector.shape_cast %get3A_459 : vector<1x1x16xf32> to vector<16xf32>
      %add3A_461 = arith.addf %add3A_454, %get3A_460 : vector<16xf32>
      %get3A_462 = arith.constant 6 : i32
      %get3A_463 = arith.index_cast %scan3A_90 : i32 to index
      %get3A_464 = arith.index_cast %get3A_462 : i32 to index
      %get3A_465 = arith.constant 64 : index
      %get3A_466 = tpu.vector_load %arg4[%get3A_463, %get3A_464, %get3A_465] {strides = array<i32>} : memref<32x8x128xf32, #tpu.memory_space<vmem>>, vector<1x1x16xf32>,
      %get3A_467 = vector.shape_cast %get3A_466 : vector<1x1x16xf32> to vector<16xf32>
      %add3A_468 = arith.addf %add3A_461, %get3A_467 : vector<16xf32>
      %get3A_469 = arith.constant 6 : i32
      %get3A_470 = arith.index_cast %scan3A_90 : i32 to index
      %get3A_471 = arith.index_cast %get3A_469 : i32 to index
      %get3A_472 = arith.constant 80 : index
      %get3A_473 = tpu.vector_load %arg4[%get3A_470, %get3A_471, %get3A_472] {strides = array<i32>} : memref<32x8x128xf32, #tpu.memory_space<vmem>>, vector<1x1x16xf32>,
      %get3A_474 = vector.shape_cast %get3A_473 : vector<1x1x16xf32> to vector<16xf32>
      %add3A_475 = arith.addf %add3A_468, %get3A_474 : vector<16xf32>
      %get3A_476 = arith.constant 6 : i32
      %get3A_477 = arith.index_cast %scan3A_90 : i32 to index
      %get3A_478 = arith.index_cast %get3A_476 : i32 to index
      %get3A_479 = arith.constant 96 : index
      %get3A_480 = tpu.vector_load %arg4[%get3A_477, %get3A_478, %get3A_479] {strides = array<i32>} : memref<32x8x128xf32, #tpu.memory_space<vmem>>, vector<1x1x16xf32>,
      %get3A_481 = vector.shape_cast %get3A_480 : vector<1x1x16xf32> to vector<16xf32>
      %add3A_482 = arith.addf %add3A_475, %get3A_481 : vector<16xf32>
      %get3A_483 = arith.constant 6 : i32
      %get3A_484 = arith.index_cast %scan3A_90 : i32 to index
      %get3A_485 = arith.index_cast %get3A_483 : i32 to index
      %get3A_486 = arith.constant 112 : index
      %get3A_487 = tpu.vector_load %arg4[%get3A_484, %get3A_485, %get3A_486] {strides = array<i32>} : memref<32x8x128xf32, #tpu.memory_space<vmem>>, vector<1x1x16xf32>,
      %get3A_488 = vector.shape_cast %get3A_487 : vector<1x1x16xf32> to vector<16xf32>
      %add3A_489 = arith.addf %add3A_482, %get3A_488 : vector<16xf32>
      %get3A_490 = arith.constant 7 : i32
      %get3A_491 = arith.index_cast %scan3A_90 : i32 to index
      %get3A_492 = arith.index_cast %get3A_490 : i32 to index
      %get3A_493 = arith.constant 0 : index
      %get3A_494 = tpu.vector_load %arg4[%get3A_491, %get3A_492, %get3A_493] {strides = array<i32>} : memref<32x8x128xf32, #tpu.memory_space<vmem>>, vector<1x1x16xf32>,
      %get3A_495 = vector.shape_cast %get3A_494 : vector<1x1x16xf32> to vector<16xf32>
      %add3A_496 = arith.addf %scan3A_98, %get3A_495 : vector<16xf32>
      %get3A_497 = arith.constant 7 : i32
      %get3A_498 = arith.index_cast %scan3A_90 : i32 to index
      %get3A_499 = arith.index_cast %get3A_497 : i32 to index
      %get3A_500 = arith.constant 16 : index
      %get3A_501 = tpu.vector_load %arg4[%get3A_498, %get3A_499, %get3A_500] {strides = array<i32>} : memref<32x8x128xf32, #tpu.memory_space<vmem>>, vector<1x1x16xf32>,
      %get3A_502 = vector.shape_cast %get3A_501 : vector<1x1x16xf32> to vector<16xf32>
      %add3A_503 = arith.addf %add3A_496, %get3A_502 : vector<16xf32>
      %get3A_504 = arith.constant 7 : i32
      %get3A_505 = arith.index_cast %scan3A_90 : i32 to index
      %get3A_506 = arith.index_cast %get3A_504 : i32 to index
      %get3A_507 = arith.constant 32 : index
      %get3A_508 = tpu.vector_load %arg4[%get3A_505, %get3A_506, %get3A_507] {strides = array<i32>} : memref<32x8x128xf32, #tpu.memory_space<vmem>>, vector<1x1x16xf32>,
      %get3A_509 = vector.shape_cast %get3A_508 : vector<1x1x16xf32> to vector<16xf32>
      %add3A_510 = arith.addf %add3A_503, %get3A_509 : vector<16xf32>
      %get3A_511 = arith.constant 7 : i32
      %get3A_512 = arith.index_cast %scan3A_90 : i32 to index
      %get3A_513 = arith.index_cast %get3A_511 : i32 to index
      %get3A_514 = arith.constant 48 : index
      %get3A_515 = tpu.vector_load %arg4[%get3A_512, %get3A_513, %get3A_514] {strides = array<i32>} : memref<32x8x128xf32, #tpu.memory_space<vmem>>, vector<1x1x16xf32>,
      %get3A_516 = vector.shape_cast %get3A_515 : vector<1x1x16xf32> to vector<16xf32>
      %add3A_517 = arith.addf %add3A_510, %get3A_516 : vector<16xf32>
      %get3A_518 = arith.constant 7 : i32
      %get3A_519 = arith.index_cast %scan3A_90 : i32 to index
      %get3A_520 = arith.index_cast %get3A_518 : i32 to index
      %get3A_521 = arith.constant 64 : index
      %get3A_522 = tpu.vector_load %arg4[%get3A_519, %get3A_520, %get3A_521] {strides = array<i32>} : memref<32x8x128xf32, #tpu.memory_space<vmem>>, vector<1x1x16xf32>,
      %get3A_523 = vector.shape_cast %get3A_522 : vector<1x1x16xf32> to vector<16xf32>
      %add3A_524 = arith.addf %add3A_517, %get3A_523 : vector<16xf32>
      %get3A_525 = arith.constant 7 : i32
      %get3A_526 = arith.index_cast %scan3A_90 : i32 to index
      %get3A_527 = arith.index_cast %get3A_525 : i32 to index
      %get3A_528 = arith.constant 80 : index
      %get3A_529 = tpu.vector_load %arg4[%get3A_526, %get3A_527, %get3A_528] {strides = array<i32>} : memref<32x8x128xf32, #tpu.memory_space<vmem>>, vector<1x1x16xf32>,
      %get3A_530 = vector.shape_cast %get3A_529 : vector<1x1x16xf32> to vector<16xf32>
      %add3A_531 = arith.addf %add3A_524, %get3A_530 : vector<16xf32>
      %get3A_532 = arith.constant 7 : i32
      %get3A_533 = arith.index_cast %scan3A_90 : i32 to index
      %get3A_534 = arith.index_cast %get3A_532 : i32 to index
      %get3A_535 = arith.constant 96 : index
      %get3A_536 = tpu.vector_load %arg4[%get3A_533, %get3A_534, %get3A_535] {strides = array<i32>} : memref<32x8x128xf32, #tpu.memory_space<vmem>>, vector<1x1x16xf32>,
      %get3A_537 = vector.shape_cast %get3A_536 : vector<1x1x16xf32> to vector<16xf32>
      %add3A_538 = arith.addf %add3A_531, %get3A_537 : vector<16xf32>
      %get3A_539 = arith.constant 7 : i32
      %get3A_540 = arith.index_cast %scan3A_90 : i32 to index
      %get3A_541 = arith.index_cast %get3A_539 : i32 to index
      %get3A_542 = arith.constant 112 : index
      %get3A_543 = tpu.vector_load %arg4[%get3A_540, %get3A_541, %get3A_542] {strides = array<i32>} : memref<32x8x128xf32, #tpu.memory_space<vmem>>, vector<1x1x16xf32>,
      %get3A_544 = vector.shape_cast %get3A_543 : vector<1x1x16xf32> to vector<16xf32>
      %add3A_545 = arith.addf %add3A_538, %get3A_544 : vector<16xf32>
      scf.yield %add3A_153, %add3A_209, %add3A_265, %add3A_321, %add3A_377, %add3A_433, %add3A_489, %add3A_545 : vector<16xf32>, vector<16xf32>, vector<16xf32>, vector<16xf32>, vector<16xf32>, vector<16xf32>, vector<16xf32>, vector<16xf32>
    }
    %scan3A_56 = arith.constant 32 : i32
    %swap3A = arith.constant 0 : index
    %swap3A_57 = tpu.vector_load %arg6[%swap3A] {strides = array<i32>} : memref<128xf32, #tpu.memory_space<vmem>>, vector<16xf32>,
    %swap3A_58 = vector.shape_cast %swap3A_57 : vector<16xf32> to vector<16xf32>
    %swap3A_59 = vector.shape_cast %scan3A_55#0 : vector<16xf32> to vector<16xf32>
    tpu.vector_store %arg6[%swap3A], %swap3A_59 {strides = array<i32>} : memref<128xf32, #tpu.memory_space<vmem>>, vector<16xf32>,
    %swap3A_60 = arith.constant 16 : index
    %swap3A_61 = tpu.vector_load %arg6[%swap3A_60] {strides = array<i32>} : memref<128xf32, #tpu.memory_space<vmem>>, vector<16xf32>,
    %swap3A_62 = vector.shape_cast %swap3A_61 : vector<16xf32> to vector<16xf32>
    %swap3A_63 = vector.shape_cast %scan3A_55#1 : vector<16xf32> to vector<16xf32>
    tpu.vector_store %arg6[%swap3A_60], %swap3A_63 {strides = array<i32>} : memref<128xf32, #tpu.memory_space<vmem>>, vector<16xf32>,
    %swap3A_64 = arith.constant 32 : index
    %swap3A_65 = tpu.vector_load %arg6[%swap3A_64] {strides = array<i32>} : memref<128xf32, #tpu.memory_space<vmem>>, vector<16xf32>,
    %swap3A_66 = vector.shape_cast %swap3A_65 : vector<16xf32> to vector<16xf32>
    %swap3A_67 = vector.shape_cast %scan3A_55#2 : vector<16xf32> to vector<16xf32>
    tpu.vector_store %arg6[%swap3A_64], %swap3A_67 {strides = array<i32>} : memref<128xf32, #tpu.memory_space<vmem>>, vector<16xf32>,
    %swap3A_68 = arith.constant 48 : index
    %swap3A_69 = tpu.vector_load %arg6[%swap3A_68] {strides = array<i32>} : memref<128xf32, #tpu.memory_space<vmem>>, vector<16xf32>,
    %swap3A_70 = vector.shape_cast %swap3A_69 : vector<16xf32> to vector<16xf32>
    %swap3A_71 = vector.shape_cast %scan3A_55#3 : vector<16xf32> to vector<16xf32>
    tpu.vector_store %arg6[%swap3A_68], %swap3A_71 {strides = array<i32>} : memref<128xf32, #tpu.memory_space<vmem>>, vector<16xf32>,
    %swap3A_72 = arith.constant 64 : index
    %swap3A_73 = tpu.vector_load %arg6[%swap3A_72] {strides = array<i32>} : memref<128xf32, #tpu.memory_space<vmem>>, vector<16xf32>,
    %swap3A_74 = vector.shape_cast %swap3A_73 : vector<16xf32> to vector<16xf32>
    %swap3A_75 = vector.shape_cast %scan3A_55#4 : vector<16xf32> to vector<16xf32>
    tpu.vector_store %arg6[%swap3A_72], %swap3A_75 {strides = array<i32>} : memref<128xf32, #tpu.memory_space<vmem>>, vector<16xf32>,
    %swap3A_76 = arith.constant 80 : index
    %swap3A_77 = tpu.vector_load %arg6[%swap3A_76] {strides = array<i32>} : memref<128xf32, #tpu.memory_space<vmem>>, vector<16xf32>,
    %swap3A_78 = vector.shape_cast %swap3A_77 : vector<16xf32> to vector<16xf32>
    %swap3A_79 = vector.shape_cast %scan3A_55#5 : vector<16xf32> to vector<16xf32>
    tpu.vector_store %arg6[%swap3A_76], %swap3A_79 {strides = array<i32>} : memref<128xf32, #tpu.memory_space<vmem>>, vector<16xf32>,
    %swap3A_80 = arith.constant 96 : index
    %swap3A_81 = tpu.vector_load %arg6[%swap3A_80] {strides = array<i32>} : memref<128xf32, #tpu.memory_space<vmem>>, vector<16xf32>,
    %swap3A_82 = vector.shape_cast %swap3A_81 : vector<16xf32> to vector<16xf32>
    %swap3A_83 = vector.shape_cast %scan3A_55#6 : vector<16xf32> to vector<16xf32>
    tpu.vector_store %arg6[%swap3A_80], %swap3A_83 {strides = array<i32>} : memref<128xf32, #tpu.memory_space<vmem>>, vector<16xf32>,
    %swap3A_84 = arith.constant 112 : index
    %swap3A_85 = tpu.vector_load %arg6[%swap3A_84] {strides = array<i32>} : memref<128xf32, #tpu.memory_space<vmem>>, vector<16xf32>,
    %swap3A_86 = vector.shape_cast %swap3A_85 : vector<16xf32> to vector<16xf32>
    %swap3A_87 = vector.shape_cast %scan3A_55#7 : vector<16xf32> to vector<16xf32>
    tpu.vector_store %arg6[%swap3A_84], %swap3A_87 {strides = array<i32>} : memref<128xf32, #tpu.memory_space<vmem>>, vector<16xf32>,
    %mul3A_88 = arith.constant 128 : i32
    %mul3A_89 = arith.muli %add3A, %mul3A_88 : i32
    "tpu.region"() ({
      %run_scoped3A = tpu.sem_alloc : memref<!tpu.dma_semaphore, #tpu.memory_space<semaphore_mem>>
      %dma_start3A_90 = tpu.memref_slice %arg3[%mul3A_89] : memref<4096xf32, #tpu.memory_space<hbm>> -> memref<128xf32, #tpu.memory_space<hbm>>
      %dma_start3A_91 = tpu.memref_slice %arg3[%mul3A_89] : memref<4096xf32, #tpu.memory_space<hbm>> -> memref<128xf32, #tpu.memory_space<hbm>>
      tpu.enqueue_dma source(%arg6 : memref<128xf32, #tpu.memory_space<vmem>>) target(%dma_start3A_91 : memref<128xf32, #tpu.memory_space<hbm>>) target_semaphore(%run_scoped3A : memref<!tpu.dma_semaphore, #tpu.memory_space<semaphore_mem>>)
      %dma_wait3A_92 = tpu.memref_slice %arg3[%mul3A_89] : memref<4096xf32, #tpu.memory_space<hbm>> -> memref<128xf32, #tpu.memory_space<hbm>>
      %dma_wait3A_93 = tpu.memref_slice %arg3[%mul3A_89] : memref<4096xf32, #tpu.memory_space<hbm>> -> memref<128xf32, #tpu.memory_space<hbm>>
      tpu.wait_dma2 semaphore(%run_scoped3A : memref<!tpu.dma_semaphore, #tpu.memory_space<semaphore_mem>>) src(%arg6 : memref<128xf32, #tpu.memory_space<vmem>>) dst(%dma_wait3A_93 : memref<128xf32, #tpu.memory_space<hbm>>)
      tpu.yield
    }) : () -> ()
    return
  }
}

module attributes {stable_mosaic.version = 14 : i64} {
  func.func @_reduce_tc(%arg0: i32, %arg1: memref<32x32768xf32, #tpu.memory_space<vmem>>, %arg2: memref<8x32xf32, #tpu.memory_space<vmem>>, %arg3: memref<32x1024xf32, #tpu.memory_space<vmem>>) attributes {dimension_semantics = [#tpu.dimension_semantics<arbitrary>], iteration_bounds = array<i64: 15>, scalar_prefetch = 0 : i64, scratch_operands = 1 : i64, tpu.core_type = #tpu.core_type<tc>, window_params = [{transform_indices = @transform_0, window_bounds = array<i64: 32, 32768>}, {pipeline_mode = #tpu.pipeline_mode<synchronous>, transform_indices = @transform_1, window_bounds = array<i64: 8, 32>}]} {
    %eq3A = arith.constant 0 : i32
    %eq3A_0 = arith.cmpi eq, %arg0, %eq3A : i32
    %convert_element_type3A = arith.extui %eq3A_0 : i1 to i32
    %cond3A = arith.constant 0 : i32
    %cond3A_1 = arith.cmpi ne, %convert_element_type3A, %cond3A : i32
    scf.if %cond3A_1 {
      %broadcast_in_dim3A = arith.constant 0.000000e+00 : f32
      %broadcast_in_dim3A_76 = vector.broadcast %broadcast_in_dim3A : f32 to vector<32x1024xf32>
      %swap3A_77 = arith.constant 0 : index
      %swap3A_78 = arith.constant 0 : index
      %swap3A_79 = vector.load %arg3[%swap3A_77, %swap3A_78] : memref<32x1024xf32, #tpu.memory_space<vmem>>, vector<32x1024xf32>
      tpu.vector_store %arg3[%swap3A_77, %swap3A_78], %broadcast_in_dim3A_76 {strides = array<i32>} : memref<32x1024xf32, #tpu.memory_space<vmem>>, vector<32x1024xf32>,
    } else {
    }
    %get3A = arith.constant 0 : index
    %get3A_2 = arith.constant 0 : index
    %get3A_3 = vector.load %arg3[%get3A, %get3A_2] : memref<32x1024xf32, #tpu.memory_space<vmem>>, vector<32x1024xf32>
    %get3A_4 = arith.constant 0 : index
    %get3A_5 = arith.constant 0 : index
    %get3A_6 = vector.load %arg1[%get3A_4, %get3A_5] : memref<32x32768xf32, #tpu.memory_space<vmem>>, vector<32x32768xf32>
    %slice3A = vector.extract_strided_slice %get3A_6 {offsets = [0, 0], sizes = [32, 1024], strides = [1, 1]} : vector<32x32768xf32> to vector<32x1024xf32>
    %add3A = arith.addf %get3A_3, %slice3A : vector<32x1024xf32>
    %slice3A_7 = vector.extract_strided_slice %get3A_6 {offsets = [0, 1024], sizes = [32, 1024], strides = [1, 1]} : vector<32x32768xf32> to vector<32x1024xf32>
    %add3A_8 = arith.addf %add3A, %slice3A_7 : vector<32x1024xf32>
    %slice3A_9 = vector.extract_strided_slice %get3A_6 {offsets = [0, 2048], sizes = [32, 1024], strides = [1, 1]} : vector<32x32768xf32> to vector<32x1024xf32>
    %add3A_10 = arith.addf %add3A_8, %slice3A_9 : vector<32x1024xf32>
    %slice3A_11 = vector.extract_strided_slice %get3A_6 {offsets = [0, 3072], sizes = [32, 1024], strides = [1, 1]} : vector<32x32768xf32> to vector<32x1024xf32>
    %add3A_12 = arith.addf %add3A_10, %slice3A_11 : vector<32x1024xf32>
    %slice3A_13 = vector.extract_strided_slice %get3A_6 {offsets = [0, 4096], sizes = [32, 1024], strides = [1, 1]} : vector<32x32768xf32> to vector<32x1024xf32>
    %add3A_14 = arith.addf %add3A_12, %slice3A_13 : vector<32x1024xf32>
    %slice3A_15 = vector.extract_strided_slice %get3A_6 {offsets = [0, 5120], sizes = [32, 1024], strides = [1, 1]} : vector<32x32768xf32> to vector<32x1024xf32>
    %add3A_16 = arith.addf %add3A_14, %slice3A_15 : vector<32x1024xf32>
    %slice3A_17 = vector.extract_strided_slice %get3A_6 {offsets = [0, 6144], sizes = [32, 1024], strides = [1, 1]} : vector<32x32768xf32> to vector<32x1024xf32>
    %add3A_18 = arith.addf %add3A_16, %slice3A_17 : vector<32x1024xf32>
    %slice3A_19 = vector.extract_strided_slice %get3A_6 {offsets = [0, 7168], sizes = [32, 1024], strides = [1, 1]} : vector<32x32768xf32> to vector<32x1024xf32>
    %add3A_20 = arith.addf %add3A_18, %slice3A_19 : vector<32x1024xf32>
    %slice3A_21 = vector.extract_strided_slice %get3A_6 {offsets = [0, 8192], sizes = [32, 1024], strides = [1, 1]} : vector<32x32768xf32> to vector<32x1024xf32>
    %add3A_22 = arith.addf %add3A_20, %slice3A_21 : vector<32x1024xf32>
    %slice3A_23 = vector.extract_strided_slice %get3A_6 {offsets = [0, 9216], sizes = [32, 1024], strides = [1, 1]} : vector<32x32768xf32> to vector<32x1024xf32>
    %add3A_24 = arith.addf %add3A_22, %slice3A_23 : vector<32x1024xf32>
    %slice3A_25 = vector.extract_strided_slice %get3A_6 {offsets = [0, 10240], sizes = [32, 1024], strides = [1, 1]} : vector<32x32768xf32> to vector<32x1024xf32>
    %add3A_26 = arith.addf %add3A_24, %slice3A_25 : vector<32x1024xf32>
    %slice3A_27 = vector.extract_strided_slice %get3A_6 {offsets = [0, 11264], sizes = [32, 1024], strides = [1, 1]} : vector<32x32768xf32> to vector<32x1024xf32>
    %add3A_28 = arith.addf %add3A_26, %slice3A_27 : vector<32x1024xf32>
    %slice3A_29 = vector.extract_strided_slice %get3A_6 {offsets = [0, 12288], sizes = [32, 1024], strides = [1, 1]} : vector<32x32768xf32> to vector<32x1024xf32>
    %add3A_30 = arith.addf %add3A_28, %slice3A_29 : vector<32x1024xf32>
    %slice3A_31 = vector.extract_strided_slice %get3A_6 {offsets = [0, 13312], sizes = [32, 1024], strides = [1, 1]} : vector<32x32768xf32> to vector<32x1024xf32>
    %add3A_32 = arith.addf %add3A_30, %slice3A_31 : vector<32x1024xf32>
    %slice3A_33 = vector.extract_strided_slice %get3A_6 {offsets = [0, 14336], sizes = [32, 1024], strides = [1, 1]} : vector<32x32768xf32> to vector<32x1024xf32>
    %add3A_34 = arith.addf %add3A_32, %slice3A_33 : vector<32x1024xf32>
    %slice3A_35 = vector.extract_strided_slice %get3A_6 {offsets = [0, 15360], sizes = [32, 1024], strides = [1, 1]} : vector<32x32768xf32> to vector<32x1024xf32>
    %add3A_36 = arith.addf %add3A_34, %slice3A_35 : vector<32x1024xf32>
    %slice3A_37 = vector.extract_strided_slice %get3A_6 {offsets = [0, 16384], sizes = [32, 1024], strides = [1, 1]} : vector<32x32768xf32> to vector<32x1024xf32>
    %add3A_38 = arith.addf %add3A_36, %slice3A_37 : vector<32x1024xf32>
    %slice3A_39 = vector.extract_strided_slice %get3A_6 {offsets = [0, 17408], sizes = [32, 1024], strides = [1, 1]} : vector<32x32768xf32> to vector<32x1024xf32>
    %add3A_40 = arith.addf %add3A_38, %slice3A_39 : vector<32x1024xf32>
    %slice3A_41 = vector.extract_strided_slice %get3A_6 {offsets = [0, 18432], sizes = [32, 1024], strides = [1, 1]} : vector<32x32768xf32> to vector<32x1024xf32>
    %add3A_42 = arith.addf %add3A_40, %slice3A_41 : vector<32x1024xf32>
    %slice3A_43 = vector.extract_strided_slice %get3A_6 {offsets = [0, 19456], sizes = [32, 1024], strides = [1, 1]} : vector<32x32768xf32> to vector<32x1024xf32>
    %add3A_44 = arith.addf %add3A_42, %slice3A_43 : vector<32x1024xf32>
    %slice3A_45 = vector.extract_strided_slice %get3A_6 {offsets = [0, 20480], sizes = [32, 1024], strides = [1, 1]} : vector<32x32768xf32> to vector<32x1024xf32>
    %add3A_46 = arith.addf %add3A_44, %slice3A_45 : vector<32x1024xf32>
    %slice3A_47 = vector.extract_strided_slice %get3A_6 {offsets = [0, 21504], sizes = [32, 1024], strides = [1, 1]} : vector<32x32768xf32> to vector<32x1024xf32>
    %add3A_48 = arith.addf %add3A_46, %slice3A_47 : vector<32x1024xf32>
    %slice3A_49 = vector.extract_strided_slice %get3A_6 {offsets = [0, 22528], sizes = [32, 1024], strides = [1, 1]} : vector<32x32768xf32> to vector<32x1024xf32>
    %add3A_50 = arith.addf %add3A_48, %slice3A_49 : vector<32x1024xf32>
    %slice3A_51 = vector.extract_strided_slice %get3A_6 {offsets = [0, 23552], sizes = [32, 1024], strides = [1, 1]} : vector<32x32768xf32> to vector<32x1024xf32>
    %add3A_52 = arith.addf %add3A_50, %slice3A_51 : vector<32x1024xf32>
    %slice3A_53 = vector.extract_strided_slice %get3A_6 {offsets = [0, 24576], sizes = [32, 1024], strides = [1, 1]} : vector<32x32768xf32> to vector<32x1024xf32>
    %add3A_54 = arith.addf %add3A_52, %slice3A_53 : vector<32x1024xf32>
    %slice3A_55 = vector.extract_strided_slice %get3A_6 {offsets = [0, 25600], sizes = [32, 1024], strides = [1, 1]} : vector<32x32768xf32> to vector<32x1024xf32>
    %add3A_56 = arith.addf %add3A_54, %slice3A_55 : vector<32x1024xf32>
    %slice3A_57 = vector.extract_strided_slice %get3A_6 {offsets = [0, 26624], sizes = [32, 1024], strides = [1, 1]} : vector<32x32768xf32> to vector<32x1024xf32>
    %add3A_58 = arith.addf %add3A_56, %slice3A_57 : vector<32x1024xf32>
    %slice3A_59 = vector.extract_strided_slice %get3A_6 {offsets = [0, 27648], sizes = [32, 1024], strides = [1, 1]} : vector<32x32768xf32> to vector<32x1024xf32>
    %add3A_60 = arith.addf %add3A_58, %slice3A_59 : vector<32x1024xf32>
    %slice3A_61 = vector.extract_strided_slice %get3A_6 {offsets = [0, 28672], sizes = [32, 1024], strides = [1, 1]} : vector<32x32768xf32> to vector<32x1024xf32>
    %add3A_62 = arith.addf %add3A_60, %slice3A_61 : vector<32x1024xf32>
    %slice3A_63 = vector.extract_strided_slice %get3A_6 {offsets = [0, 29696], sizes = [32, 1024], strides = [1, 1]} : vector<32x32768xf32> to vector<32x1024xf32>
    %add3A_64 = arith.addf %add3A_62, %slice3A_63 : vector<32x1024xf32>
    %slice3A_65 = vector.extract_strided_slice %get3A_6 {offsets = [0, 30720], sizes = [32, 1024], strides = [1, 1]} : vector<32x32768xf32> to vector<32x1024xf32>
    %add3A_66 = arith.addf %add3A_64, %slice3A_65 : vector<32x1024xf32>
    %slice3A_67 = vector.extract_strided_slice %get3A_6 {offsets = [0, 31744], sizes = [32, 1024], strides = [1, 1]} : vector<32x32768xf32> to vector<32x1024xf32>
    %add3A_68 = arith.addf %add3A_66, %slice3A_67 : vector<32x1024xf32>
    %swap3A = arith.constant 0 : index
    %swap3A_69 = arith.constant 0 : index
    %swap3A_70 = vector.load %arg3[%swap3A, %swap3A_69] : memref<32x1024xf32, #tpu.memory_space<vmem>>, vector<32x1024xf32>
    tpu.vector_store %arg3[%swap3A, %swap3A_69], %add3A_68 {strides = array<i32>} : memref<32x1024xf32, #tpu.memory_space<vmem>>, vector<32x1024xf32>,
    %eq3A_71 = arith.constant 14 : i32
    %eq3A_72 = arith.cmpi eq, %arg0, %eq3A_71 : i32
    %convert_element_type3A_73 = arith.extui %eq3A_72 : i1 to i32
    %cond3A_74 = arith.constant 0 : i32
    %cond3A_75 = arith.cmpi ne, %convert_element_type3A_73, %cond3A_74 : i32
    scf.if %cond3A_75 {
      %get3A_76 = arith.constant 0 : index
      %get3A_77 = arith.constant 0 : index
      %get3A_78 = vector.load %arg3[%get3A_76, %get3A_77] : memref<32x1024xf32, #tpu.memory_space<vmem>>, vector<32x1024xf32>
      %broadcast_in_dim3A = arith.constant 1.000000e+00 : f32
      %broadcast_in_dim3A_79 = vector.broadcast %broadcast_in_dim3A : f32 to vector<1024x8xf32>
      %dot_general3A = arith.constant dense<0.000000e+00> : vector<32x8xf32>
      %dot_general3A_80 = tpu.matmul %get3A_78, %broadcast_in_dim3A_79, %dot_general3A {dimension_numbers = #tpu.dot_dimension_numbers<[1], [0], [0], [1], [0, 0, 1, 1], [], []>, transpose_lhs_hint = false} : vector<32x1024xf32>, vector<1024x8xf32>, vector<32x8xf32> -> vector<32x8xf32>
      %broadcast_in_dim3A_81 = arith.constant 1.000000e+00 : f32
      %broadcast_in_dim3A_82 = vector.broadcast %broadcast_in_dim3A_81 : f32 to vector<8x8xf32>
      %dot_general3A_83 = arith.constant dense<0.000000e+00> : vector<8x32xf32>
      %dot_general3A_84 = tpu.matmul %broadcast_in_dim3A_82, %dot_general3A_80, %dot_general3A_83 {dimension_numbers = #tpu.dot_dimension_numbers<[1], [1], [0], [0], [0, 0, 1, 0], [], []>, transpose_lhs_hint = false} : vector<8x8xf32>, vector<32x8xf32>, vector<8x32xf32> -> vector<8x32xf32>
      %mul3A = arith.constant 1.250000e-01 : f32
      %mul3A_85 = vector.broadcast %mul3A : f32 to vector<8x32xf32>
      %mul3A_86 = arith.mulf %mul3A_85, %dot_general3A_84 : vector<8x32xf32>
      %swap3A_87 = arith.constant 0 : index
      %swap3A_88 = arith.constant 0 : index
      %swap3A_89 = vector.load %arg2[%swap3A_87, %swap3A_88] : memref<8x32xf32, #tpu.memory_space<vmem>>, vector<8x32xf32>
      tpu.vector_store %arg2[%swap3A_87, %swap3A_88], %mul3A_86 {strides = array<i32>} : memref<8x32xf32, #tpu.memory_space<vmem>>, vector<8x32xf32>,
    } else {
    }
    return
  }
  func.func @transform_0(%arg0: i32) -> (i32, i32) {
    %c0_i32 = arith.constant 0 : i32
    %c0_i32_0 = arith.constant 0 : i32
    return %c0_i32, %arg0 : i32, i32
  }
  func.func @transform_1(%arg0: i32) -> (i32, i32) {
    %c0_i32 = arith.constant 0 : i32
    %c0_i32_0 = arith.constant 0 : i32
    %c0_i32_1 = arith.constant 0 : i32
    return %c0_i32, %c0_i32_0 : i32, i32
  }
}

module attributes {stable_mosaic.version = 14 : i64} {
  func.func @_codebook_tc(%arg0: memref<8x32xf32, #tpu.memory_space<vmem>>, %arg1: memref<32x128xf32, #tpu.memory_space<vmem>>, %arg2: memref<32x8192xf32, #tpu.memory_space<vmem>>, %arg3: memref<1x1xi32, #tpu.memory_space<smem>>) attributes {dimension_semantics = [], scalar_prefetch = 0 : i64, scratch_operands = 0 : i64, tpu.core_type = #tpu.core_type<tc>} {
    %get3A = arith.constant 0 : index
    %get3A_0 = arith.constant 0 : index
    %get3A_1 = vector.load %arg1[%get3A, %get3A_0] : memref<32x128xf32, #tpu.memory_space<vmem>>, vector<32x128xf32>
    %iota3A = tpu.iota {dimensions = array<i32: 0>} : vector<128x8xi32>
    %jit3A = arith.constant 16 : i32
    %div3A = vector.broadcast %jit3A : i32 to vector<128x8xi32>
    %div3A_2 = arith.divsi %iota3A, %div3A : vector<128x8xi32>
    %sign3A = arith.constant 0 : i32
    %sign3A_3 = vector.broadcast %sign3A : i32 to vector<128x8xi32>
    %sign3A_4 = arith.cmpi sgt, %iota3A, %sign3A_3 : vector<128x8xi32>
    %sign3A_5 = arith.extui %sign3A_4 : vector<128x8xi1> to vector<128x8xi32>
    %sign3A_6 = arith.constant 0 : i32
    %sign3A_7 = vector.broadcast %sign3A_6 : i32 to vector<128x8xi32>
    %sign3A_8 = arith.cmpi slt, %iota3A, %sign3A_7 : vector<128x8xi32>
    %sign3A_9 = arith.extui %sign3A_8 : vector<128x8xi1> to vector<128x8xi32>
    %sign3A_10 = arith.subi %sign3A_5, %sign3A_9 : vector<128x8xi32>
    %sign3A_11 = arith.constant 0 : i32
    %sign3A_12 = arith.cmpi sgt, %jit3A, %sign3A_11 : i32
    %sign3A_13 = arith.extui %sign3A_12 : i1 to i32
    %sign3A_14 = arith.constant 0 : i32
    %sign3A_15 = arith.cmpi slt, %jit3A, %sign3A_14 : i32
    %sign3A_16 = arith.extui %sign3A_15 : i1 to i32
    %sign3A_17 = arith.subi %sign3A_13, %sign3A_16 : i32
    %ne3A = vector.broadcast %sign3A_17 : i32 to vector<128x8xi32>
    %ne3A_18 = arith.cmpi ne, %sign3A_10, %ne3A : vector<128x8xi32>
    %rem3A = vector.broadcast %jit3A : i32 to vector<128x8xi32>
    %rem3A_19 = arith.remsi %iota3A, %rem3A : vector<128x8xi32>
    %ne3A_20 = arith.constant 0 : i32
    %ne3A_21 = vector.broadcast %ne3A_20 : i32 to vector<128x8xi32>
    %ne3A_22 = arith.cmpi ne, %rem3A_19, %ne3A_21 : vector<128x8xi32>
    %and3A = arith.andi %ne3A_18, %ne3A_22 : vector<128x8xi1>
    %sub3A = arith.constant 1 : i32
    %sub3A_23 = vector.broadcast %sub3A : i32 to vector<128x8xi32>
    %sub3A_24 = arith.subi %div3A_2, %sub3A_23 : vector<128x8xi32>
    %select_n3A = arith.select %and3A, %sub3A_24, %div3A_2 : vector<128x8xi1>, vector<128x8xi32>
    %iota3A_25 = tpu.iota {dimensions = array<i32: 1>} : vector<128x8xi32>
    %eq3A = arith.cmpi eq, %select_n3A, %iota3A_25 : vector<128x8xi32>
    %jit3A_26 = arith.constant 1.000000e+00 : f32
    %jit3A_27 = arith.constant 0.000000e+00 : f32
    %broadcast_in_dim3A = vector.broadcast %jit3A_26 : f32 to vector<128x8xf32>
    %broadcast_in_dim3A_28 = vector.broadcast %jit3A_27 : f32 to vector<128x8xf32>
    %select_n3A_29 = arith.select %eq3A, %broadcast_in_dim3A, %broadcast_in_dim3A_28 : vector<128x8xi1>, vector<128x8xf32>
    %dot_general3A = arith.constant dense<0.000000e+00> : vector<32x8xf32>
    %dot_general3A_30 = tpu.matmul %get3A_1, %select_n3A_29, %dot_general3A {dimension_numbers = #tpu.dot_dimension_numbers<[1], [0], [0], [1], [0, 0, 1, 1], [], []>, transpose_lhs_hint = false} : vector<32x128xf32>, vector<128x8xf32>, vector<32x8xf32> -> vector<32x8xf32>
    %broadcast_in_dim3A_31 = arith.constant 1.000000e+00 : f32
    %broadcast_in_dim3A_32 = vector.broadcast %broadcast_in_dim3A_31 : f32 to vector<1x8xf32>
    %slice3A = vector.extract_strided_slice %dot_general3A_30 {offsets = [0, 0], sizes = [8, 8], strides = [1, 1]} : vector<32x8xf32> to vector<8x8xf32>
    %dot_general3A_33 = arith.constant dense<0.000000e+00> : vector<1x8xf32>
    %dot_general3A_34 = tpu.matmul %broadcast_in_dim3A_32, %slice3A, %dot_general3A_33 {dimension_numbers = #tpu.dot_dimension_numbers<[1], [0], [0], [1], [0, 0, 1, 1], [], []>, transpose_lhs_hint = false} : vector<1x8xf32>, vector<8x8xf32>, vector<1x8xf32> -> vector<1x8xf32>
    %slice3A_35 = vector.extract_strided_slice %dot_general3A_30 {offsets = [8, 0], sizes = [8, 8], strides = [1, 1]} : vector<32x8xf32> to vector<8x8xf32>
    %dot_general3A_36 = arith.constant dense<0.000000e+00> : vector<1x8xf32>
    %dot_general3A_37 = tpu.matmul %broadcast_in_dim3A_32, %slice3A_35, %dot_general3A_36 {dimension_numbers = #tpu.dot_dimension_numbers<[1], [0], [0], [1], [0, 0, 1, 1], [], []>, transpose_lhs_hint = false} : vector<1x8xf32>, vector<8x8xf32>, vector<1x8xf32> -> vector<1x8xf32>
    %slice3A_38 = vector.extract_strided_slice %dot_general3A_30 {offsets = [16, 0], sizes = [8, 8], strides = [1, 1]} : vector<32x8xf32> to vector<8x8xf32>
    %dot_general3A_39 = arith.constant dense<0.000000e+00> : vector<1x8xf32>
    %dot_general3A_40 = tpu.matmul %broadcast_in_dim3A_32, %slice3A_38, %dot_general3A_39 {dimension_numbers = #tpu.dot_dimension_numbers<[1], [0], [0], [1], [0, 0, 1, 1], [], []>, transpose_lhs_hint = false} : vector<1x8xf32>, vector<8x8xf32>, vector<1x8xf32> -> vector<1x8xf32>
    %slice3A_41 = vector.extract_strided_slice %dot_general3A_30 {offsets = [24, 0], sizes = [8, 8], strides = [1, 1]} : vector<32x8xf32> to vector<8x8xf32>
    %dot_general3A_42 = arith.constant dense<0.000000e+00> : vector<1x8xf32>
    %dot_general3A_43 = tpu.matmul %broadcast_in_dim3A_32, %slice3A_41, %dot_general3A_42 {dimension_numbers = #tpu.dot_dimension_numbers<[1], [0], [0], [1], [0, 0, 1, 1], [], []>, transpose_lhs_hint = false} : vector<1x8xf32>, vector<8x8xf32>, vector<1x8xf32> -> vector<1x8xf32>
    %concatenate3A = tpu.concatenate %dot_general3A_34, %dot_general3A_37, %dot_general3A_40, %dot_general3A_43 in 1 : vector<1x8xf32>, vector<1x8xf32>, vector<1x8xf32>, vector<1x8xf32> -> vector<1x32xf32>
    %get3A_44 = arith.constant 0 : index
    %get3A_45 = arith.constant 0 : index
    %get3A_46 = vector.load %arg0[%get3A_44, %get3A_45] : memref<8x32xf32, #tpu.memory_space<vmem>>, vector<1x32xf32>
    %add3A = arith.addf %get3A_46, %concatenate3A : vector<1x32xf32>
    %broadcast_in_dim3A_47 = vector.shape_cast %add3A : vector<1x32xf32> to vector<1x32xf32>
    %broadcast_in_dim3A_48 = vector.broadcast %broadcast_in_dim3A_47 : vector<1x32xf32> to vector<8x32xf32>
    %get3A_49 = arith.constant 0 : index
    %get3A_50 = arith.constant 0 : index
    %get3A_51 = vector.load %arg2[%get3A_49, %get3A_50] : memref<32x8192xf32, #tpu.memory_space<vmem>>, vector<32x8192xf32>
    %dot_general3A_52 = arith.constant dense<0.000000e+00> : vector<8x8192xf32>
    %dot_general3A_53 = tpu.matmul %broadcast_in_dim3A_48, %get3A_51, %dot_general3A_52 {dimension_numbers = #tpu.dot_dimension_numbers<[1], [0], [0], [1], [0, 0, 1, 1], [], []>, transpose_lhs_hint = false} : vector<8x32xf32>, vector<32x8192xf32>, vector<8x8192xf32> -> vector<8x8192xf32>
    %broadcast_in_dim3A_54 = arith.constant 1.000000e+00 : f32
    %broadcast_in_dim3A_55 = vector.broadcast %broadcast_in_dim3A_54 : f32 to vector<8x32xf32>
    %mul3A = arith.mulf %get3A_51, %get3A_51 : vector<32x8192xf32>
    %dot_general3A_56 = arith.constant dense<0.000000e+00> : vector<8x8192xf32>
    %dot_general3A_57 = tpu.matmul %broadcast_in_dim3A_55, %mul3A, %dot_general3A_56 {dimension_numbers = #tpu.dot_dimension_numbers<[1], [0], [0], [1], [0, 0, 1, 1], [], []>, transpose_lhs_hint = false} : vector<8x32xf32>, vector<32x8192xf32>, vector<8x8192xf32> -> vector<8x8192xf32>
    %slice3A_58 = vector.extract_strided_slice %dot_general3A_53 {offsets = [0, 0], sizes = [1, 8192], strides = [1, 1]} : vector<8x8192xf32> to vector<1x8192xf32>
    %slice3A_59 = vector.extract_strided_slice %dot_general3A_57 {offsets = [0, 0], sizes = [1, 8192], strides = [1, 1]} : vector<8x8192xf32> to vector<1x8192xf32>
    %sign3A_60 = tpu.bitcast %slice3A_58 : vector<1x8192xf32> -> vector<1x8192xi32>
    %sign3A_61 = arith.constant -2147483648 : i32
    %sign3A_62 = vector.broadcast %sign3A_61 : i32 to vector<1x8192xi32>
    %sign3A_63 = arith.andi %sign3A_60, %sign3A_62 : vector<1x8192xi32>
    %sign3A_64 = arith.constant 1065353216 : i32
    %sign3A_65 = vector.broadcast %sign3A_64 : i32 to vector<1x8192xi32>
    %sign3A_66 = arith.ori %sign3A_65, %sign3A_63 : vector<1x8192xi32>
    %sign3A_67 = tpu.bitcast %sign3A_66 : vector<1x8192xi32> -> vector<1x8192xf32>
    %sign3A_68 = math.absf %slice3A_58 : vector<1x8192xf32>
    %sign3A_69 = arith.constant 0.000000e+00 : f32
    %sign3A_70 = vector.broadcast %sign3A_69 : f32 to vector<1x8192xf32>
    %sign3A_71 = arith.cmpf ogt, %sign3A_68, %sign3A_70 : vector<1x8192xf32>
    %sign3A_72 = arith.select %sign3A_71, %sign3A_67, %slice3A_58 : vector<1x8192xi1>, vector<1x8192xf32>
    %mul3A_73 = arith.mulf %slice3A_58, %slice3A_58 : vector<1x8192xf32>
    %mul3A_74 = arith.mulf %sign3A_72, %mul3A_73 : vector<1x8192xf32>
    %div3A_75 = arith.divf %mul3A_74, %slice3A_59 : vector<1x8192xf32>
    %reduce_max3A = vector.shape_cast %div3A_75 : vector<1x8192xf32> to vector<1x1x8192xf32>
    %reduce_max3A_76 = arith.constant dense<0xFF800000> : vector<1xf32>
    %reduce_max3A_77 = vector.multi_reduction <maximumf>, %reduce_max3A, %reduce_max3A_76 [1, 2] : vector<1x1x8192xf32> to vector<1xf32>
    %reduce_max3A_78 = vector.shape_cast %reduce_max3A_77 : vector<1xf32> to vector<1x1x1xf32>
    %reduce_max3A_79 = vector.extract %reduce_max3A_78[0, 0, 0] : f32 from vector<1x1x1xf32>
    %iota3A_80 = tpu.iota {dimensions = array<i32: 1>} : vector<1x8192xi32>
    %eq3A_81 = vector.broadcast %reduce_max3A_79 : f32 to vector<1x8192xf32>
    %eq3A_82 = arith.cmpf oeq, %div3A_75, %eq3A_81 : vector<1x8192xf32>
    %jit3A_83 = arith.constant 1073741824 : i32
    %broadcast_in_dim3A_84 = vector.broadcast %jit3A_83 : i32 to vector<1x8192xi32>
    %select_n3A_85 = arith.select %eq3A_82, %iota3A_80, %broadcast_in_dim3A_84 : vector<1x8192xi1>, vector<1x8192xi32>
    %reduce_min3A = vector.shape_cast %select_n3A_85 : vector<1x8192xi32> to vector<1x1x8192xi32>
    %reduce_min3A_86 = arith.constant dense<2147483647> : vector<1xi32>
    %reduce_min3A_87 = vector.multi_reduction <minsi>, %reduce_min3A, %reduce_min3A_86 [1, 2] : vector<1x1x8192xi32> to vector<1xi32>
    %reduce_min3A_88 = vector.shape_cast %reduce_min3A_87 : vector<1xi32> to vector<1x1x1xi32>
    %reduce_min3A_89 = vector.extract %reduce_min3A_88[0, 0, 0] : i32 from vector<1x1x1xi32>
    %swap3A = arith.constant 0 : index
    %swap3A_90 = arith.constant 0 : index
    %swap3A_91 = memref.load %arg3[%swap3A, %swap3A_90] : memref<1x1xi32, #tpu.memory_space<smem>>
    memref.store %reduce_min3A_89, %arg3[%swap3A, %swap3A_90] : memref<1x1xi32, #tpu.memory_space<smem>>
    return
  }
}

</mosaic_0001>

<sc_bundles>
// kernel: kernel.5.cloned.1.call-start
scs
__scs_entry_jumppad:
0x0: {  	(pc) =	sbr.rel $0x88, $3  }
0x1: {  	(tag) =	ssettag $0x0;
	lr =	simm.s32 $0x1  }
0x2: {  	[smem:$0x3F9F] =	sst lr;
	_ =	strace $0xD0000000  }
0x3: {  	_ = 	snop  }
0x4: {  	_ = 	snop  }
0x5: {  	_ = 	snop  }
0x6: {  	_ = 	snop  }
0x7: {  	_ = 	snop  }
__scs_overlays_trampoline_lowered:
0x8: {  	[smem:$0x3FAE] =	sst s0  }
0x9: {  	[smem:$0x3FAF] =	sst s1  }
0xa: {  	[smem:$0x3FB0] =	sst s2  }
0xb: {  	[smem:$0x3FB1] =	sst s3  }
0xc: {  	[smem:$0x3FB2] =	sst s4  }
0xd: {  	[smem:$0x3FB3] =	sst s5  }
0xe: {  	[smem:$0x3FB4] =	sst s6  }
0xf: {  	[smem:$0x3FB5] =	sst s7  }
0x10: {  	[smem:$0x3FB6] =	sst s8  }
0x11: {  	[smem:$0x3FB7] =	sst s9;
	s0 =	simm.s32 @!p0 $0x0  }
0x12: {  	s1 =	sld [smem:$0x3F9D];
	s0 =	simm.s32 @p0 $0x1  }
0x13: {  	[smem:$0x3FB8] =	sst s0;
	s0 =	simm.s32 @!p1 $0x0  }
0x14: {  	s2 =	sld [smem:$0x3F9C];
	s0 =	simm.s32 @p1 $0x1  }
0x15: {  	[smem:$0x3FB9] =	sst s0;
	s0 =	simm.s32 @!p2 $0x0  }
0x16: {  	s3 =	sld [smem:$0x3FDB];
	s0 =	simm.s32 @p2 $0x1  }
0x17: {  	s4 =	simm.s32 $0x1BF5;
	[smem:$0x3FBB] =	sst s0  }
0x18: {  	s0 =	sld [smem:$0x3F9E];
	_ =	swait.ge [sflag:s4], $0x0  }
0x19: {  	s7 =	sld [smem:$0x3F9F]  }
0x1a: {  	s8 =	sadd.s32 $0xFFFFE003, lr  }
0x1b: {  	s9 =	sadd.s32 $0xFFFFFEF7, lr;
	s5 =	simm.s32 $0xFFFFFFFF;
	p2 =	slt.u32 s8, $0xFFFFF086  }
0x1c: {  	p1 =	slt.u32 s9, $0xF7A;
	s5 =	simm.s32 @!p2 $0x0  }
0x1d: {  	s5 =	simm.s32 @p1 $0x1;
	p0 =	seq.s32 s7, s2  }
0x1e: {  	s7 =	smul.u32 @!p0 $0xF7A, s2;
	p2 =	seq.s32 @!p0 s5, $0x0  }
0x1f: {  	s9 =	smul.u32 $0xF7A, s1;
	s8 =	simm.s32 @!p0 $0x1BF5;
	p2 =	por !p2, p0  }
0x20: {  	[sflag:s8] =	ssyncset.s32 @!p0 $0xFFFFF086;
	s6 =	sadd.s32 @!p0 s3, s7;
	s7 =	simm.s32 @!p0 $0x108  }
0x21: {  	s3 =	sadd.s32 s3, s9;
	s6 =	sadd.s32 @!p0 $0x88, s6;
	s7 =	simm.s32 @p2 $0x1082  }
0x22: {  	[simem:s7], [sflag:s8] =	dma.local @!p0 [hbm:s6], $0xF7A  }
0x23: {  	s9 =	sor.u32 $0xD0000000, s2;
	s6 =	simm.s32 $0x108;
	_ =	swait.ge @!p0 [sflag:s8], $0x0  }
0x24: {  	s3 =	sadd.s32 $0x88, s3;
	s6 =	simm.s32 @!p1 $0x1082;
	[sflag:s4] =	ssyncset.s32 $0xFFFFF086  }
0x25: {  	[simem:s6], [sflag:s4] =	dma.local [hbm:s3], $0xF7A  }
0x26: {  	[smem:$0x3F9F] =	sst s1;
	(tag) =	ssettag s2;
	_ =	strace s9  }
0x27: {  	s1 =	sld [smem:$0x3FAF]  }
0x28: {  	s2 =	sld [smem:$0x3FB0]  }
0x29: {  	s4 =	sld [smem:$0x3FB2]  }
0x2a: {  	p0 =	seq.s32 s5, $0x0;
	s5 =	sld [smem:$0x3FB3]  }
0x2b: {  	s6 =	sld [smem:$0x3FB4]  }
0x2c: {  	s7 =	sld [smem:$0x3FB5]  }
0x2d: {  	s3 =	simm.s32 $0x108;
	s8 =	sld [smem:$0x3FB6]  }
0x2e: {  	s3 =	simm.s32 @!p0 $0x1082;
	s9 =	sld [smem:$0x3FB7]  }
0x2f: {  	lr =	sadd.s32 s0, s3;
	s0 =	sld [smem:$0x3FAE]  }
0x30: {  	s3 =	sld [smem:$0x3FB1]  }
0x31: {  	[smem:$0x3FBA] =	sst s10  }
0x32: {  	s10 =	sld [smem:$0x3FB8];
	_ =	sdelay $0x3  }
0x33: {  	p0 =	seq.s32 s10, $0x1;
	s10 =	sld [smem:$0x3FBA];
	_ =	sdelay $0x3  }
0x34: {  	[smem:$0x3FBA] =	sst s10  }
0x35: {  	s10 =	sld [smem:$0x3FB9];
	_ =	sdelay $0x3  }
0x36: {  	p1 =	seq.s32 s10, $0x1;
	s10 =	sld [smem:$0x3FBA];
	_ =	sdelay $0x3  }
0x37: {  	[smem:$0x3FBA] =	sst s10  }
0x38: {  	s10 =	sld [smem:$0x3FBB]  }
0x39: {  	_ = 	snop;
	(pc) =	sbr.ind lr, $3  }
0x3a: {  	_ = 	snop  }
0x3b: {  	_ = 	snop  }
0x3c: {  	p2 =	seq.s32 s10, $0x1;
	s10 =	sld [smem:$0x3FBA]  }
0x3d: {  	_ =	shalt  }
0x3e: {  	_ =	shalt  }
0x3f: {  	_ =	shalt  }
0x40: {  	_ =	shalt  }
0x41: {  	_ =	shalt  }
0x42: {  	_ =	shalt  }
0x43: {  	_ =	shalt  }
0x44: {  	_ =	shalt  }
0x45: {  	_ =	shalt  }
0x46: {  	_ =	shalt  }
0x47: {  	_ =	shalt  }
0x48: {  	_ =	shalt  }
0x49: {  	_ =	shalt  }
0x4a: {  	_ =	shalt  }
0x4b: {  	_ =	shalt  }
0x4c: {  	_ =	shalt  }
0x4d: {  	_ =	shalt  }
0x4e: {  	_ =	shalt  }
0x4f: {  	_ =	shalt  }
0x50: {  	_ =	shalt  }
0x51: {  	_ =	shalt  }
0x52: {  	_ =	shalt  }
0x53: {  	_ =	shalt  }
0x54: {  	_ =	shalt  }
0x55: {  	_ =	shalt  }
0x56: {  	_ =	shalt  }
0x57: {  	_ =	shalt  }
0x58: {  	_ =	shalt  }
0x59: {  	_ =	shalt  }
0x5a: {  	_ =	shalt  }
0x5b: {  	_ =	shalt  }
0x5c: {  	_ =	shalt  }
0x5d: {  	_ =	shalt  }
0x5e: {  	_ =	shalt  }
0x5f: {  	_ =	shalt  }
0x60: {  	_ =	shalt  }
0x61: {  	_ =	shalt  }
0x62: {  	_ =	shalt  }
0x63: {  	_ =	shalt  }
0x64: {  	_ =	shalt  }
0x65: {  	_ =	shalt  }
0x66: {  	_ =	shalt  }
0x67: {  	_ =	shalt  }
0x68: {  	_ =	shalt  }
0x69: {  	_ =	shalt  }
0x6a: {  	_ =	shalt  }
0x6b: {  	_ =	shalt  }
0x6c: {  	_ =	shalt  }
0x6d: {  	_ =	shalt  }
0x6e: {  	_ =	shalt  }
0x6f: {  	_ =	shalt  }
0x70: {  	_ =	shalt  }
0x71: {  	_ =	shalt  }
0x72: {  	_ =	shalt  }
0x73: {  	_ =	shalt  }
0x74: {  	_ =	shalt  }
0x75: {  	_ =	shalt  }
0x76: {  	_ =	shalt  }
0x77: {  	_ =	shalt  }
0x78: {  	_ =	shalt  }
0x79: {  	_ =	shalt  }
0x7a: {  	_ =	shalt  }
0x7b: {  	_ =	shalt  }
0x7c: {  	_ =	shalt  }
0x7d: {  	_ =	shalt  }
0x7e: {  	_ =	shalt  }
0x7f: {  	_ =	shalt  }
0x80: {  	_ =	shalt  }
0x81: {  	_ =	shalt  }
0x82: {  	_ =	shalt  }
0x83: {  	_ =	shalt  }
0x84: {  	_ =	shalt  }
0x85: {  	_ =	shalt  }
0x86: {  	_ =	shalt  }
0x87: {  	_ =	shalt  }
.Lfunc_end0:
.L_simem_size_0:
called_computation_lowered:
.L_overlay_start_0:
0x88: {  	s2 =	sld [smem:$0x3FD9]  }
0x89: {  	s3 =	sld [smem:$0x3FFE];
	_ =	sdelay $0x1  }
0x8a: {  	s1 =	srdreg.scid  }
0x8b: {  	s0 =	sand.u32 $0x1, s1  }
0x8c: {  	s17 =	sshll.u32 s0, $0xA;
	s2 =	sadd.s32 s3, s2  }
0x8d: {  	s2 =	sadd.s32 s2, s17  }
0x8e: {  	[smem:$0x3FC6] =	sst s2  }
0x8f: {  	_ = 	snop  }
0x90: {  	s2 =	sld [smem:$0x3FC9];
	(tm) =	ssettm $0x1  }
0x91: {  	s18 =	sld [smem:$0x3FFB];
	_ =	sdelay $0x3  }
0x92: {  	_ =	strace s18  }
0x93: {  	s3 =	sld [smem:$0x3FFC];
	_ =	sdelay $0x3  }
0x94: {  	_ =	strace s3  }
0x95: {  	s3 =	sld [smem:$0x3FFD];
	_ =	sdelay $0x3  }
0x96: {  	_ =	strace s3  }
0x97: {  	_ =	strace $0x8FFFFFFF  }
0x98: {  	s19 =	sld [smem:$0x3FDB];
	_ =	sdelay $0x1  }
0x99: {  	s4 =	simm.s32 $_scs_section_size  }
0x9a: {  	s5 =	simm.s32 $_size__tile_overlayer_lowered;
	s6 =	simm.s32 $_tile_overlayer_lowered  }
0x9b: {  	s22 =	simm.s32 $0x1BFF;
	s21 =	sshll.u32 s6, $0x1;
	s3 =	sadd.s32 s4, s19  }
0x9c: {  	s7 =	simm.s32 $0x0;
	s20 =	sshll.u32 s5, $0x1;
	s5 =	sadd.s32 s21, s3  }
0x9d: {  	[timem:s7], [sflag:s22] =	dma.local [hbm:s5], s20  }
0x9e: {  	_ =	swait.ge [sflag:s22], s20  }
0x9f: {  	s4 =	ssub.s32 $0x0, s20;
	[sflag:s22] =	ssyncset.done $0x0  }
0xa0: {  	[sflag:s22] =	ssyncadd.s32 s4;
	_ =	sdelay $0x1  }
0xa1: {  	s23 =	simm.s32 $0x1B8B  }
0xa2: {  	_ =	swait.ge [sflag:s23], $0x1  }
0xa3: {  	[sflag:s23] =	ssyncset.done $0x0  }
0xa4: {  	s25 =	simm.s32 $0x1B8E;
	s24 =	sld [smem:$0x3FFE];
	[sflag:s23] =	ssyncadd.s32 $0xFFFFFFFF  }
0xa5: {  	s26 =	simm.s32 $execute0_lowered;
	[smem:$0x3FD2] =	sst s25  }
0xa6: {  	s5 =	sshll.u32 s26, $0x1;
	_ =	strace $0x80000046;
	[dreg:$0x1] =	wrdreg $0xFFFFFFFF  }
0xa7: {  	s28 =	simm.s32 $_size_execute0_lowered;
	s3 =	sadd.s32 s3, s5;
	[dreg:$0x0] =	wrdreg $0x0  }
0xa8: {  	s5 =	sshll.u32 s28, $0x1;
	[dreg:$0x2] =	wrdreg s3  }
0xa9: {  	[dreg:$0x3] =	wrdreg s5  }
0xaa: {  	[dreg:$0x4] =	wrdreg $0xC0  }
0xab: {  	_ =	task [dreg:s7], $0x5FFFF  }
0xac: {  	[dreg:$0x1] =	wrdreg $0xFFFFFFFF  }
0xad: {  	[dreg:$0x0] =	wrdreg $0x60  }
0xae: {  	[dreg:$0x2] =	wrdreg s2  }
0xaf: {  	[dreg:$0x3] =	wrdreg s24  }
0xb0: {  	[dreg:$0x4] =	wrdreg $0x9  }
0xb1: {  	_ =	task.clear_ibuf [dreg:s7], $0x5FFFF;
	_ =	strace $0x90000046  }
0xb2: {  	s29 =	simm.s32 $0x9;
	_ =	strace $0x80000048  }
0xb3: {  	_ =	swait.ge [sflag:s29], $0x1  }
0xb4: {  	[sflag:s29] =	ssyncadd.s32 $0xFFFFFFFF  }
0xb5: {  	_ =	strace $0x90000048  }
0xb6: {  	_ =	sfence  }
0xb7: {  	s30 =	sld [smem:$0x0];
	_ =	sdelay $0x2  }
0xb8: {  	s31 =	sshll.u32 s1, $0xD;
	s1 =	sshrl.u32 s1, $0x2  }
0xb9: {  	s3 =	sand.u32 $0x4000, s31;
	s1 =	sadd.s32 s1, s30  }
0xba: {  	s0 =	sor.u32 s3, s0;
	s1 =	sshll.u32 s1, $0x11  }
0xbb: {  	s0 =	sor.u32 s1, s0  }
0xbc: {  	s0 =	sadd.s32 $0x8F2B, s0  }
0xbd: {  	[sflag:s0] =	ssyncadd.remote.s32 $0x1  }
0xbe: {  	_ =	sfence.sel $0xFFFF  }
0xbf: {  	[dreg:$0x0] =	wrdreg $0xFFFFFFFF;
	(pc) =	sbr.abs _section_cstart, $3  }
0xc0: {  	[dreg:$0x1] =	wrdreg $0xFFFFFFFF  }
0xc1: {  	_ =	task.clear_ibuf [dreg:s7], $0x2FFFF;
	_ =	strace $0x9FFFFFFF  }
0xc2: {  	(tm) =	ssettm $0x7FFFFFFF  }
0xc3: {  	_ =	shalt  }
tec
execute0_lowered:
.L_overlay_start_1:
0x0: {  	(tag) =	ssettag $0x1  }
0x1: {  	s3 =	rddreg [dreg:$0x0]  }
0x2: {  	s1 =	srdreg.scid;
	s0 =	stileid.u32  }
0x3: {  	s4 =	rddreg [dreg:$0x1];
	s2 =	simm.s32 $0x0;
	s9 =	simm.s32 $0x0  }
0x4: {  	s5 =	sand.u32 $0x1, s1;
	s6 =	sshll.u32 s0, $0x1;
	s1 =	rddreg [dreg:$0x2]  }
0x5: {  	[smem:$0x7FF] =	sst s2;
	s7 =	sshll.u32 s0, $0x11;
	s6 =	sor.u32 s5, s6  }
0x6: {  	_ =	strace $0x80000047;
	s5 =	ssub.s32 $0x2, s5;
	s8 =	sshll.u32 s6, $0xC  }
0x7: {  	s6 =	sshll.u32 s6, $0x4;
	s31 =	sshrl.u32 s5, $0x1;
	s7 =	sor.u32 s8, s7  }
0x8: {  	s4 =	sadd.s32 s6, s4;
	s5 =	ssub.s32 s5, s31;
	s6 =	simm.s32 $0x1  }
0x9: {  	s8 =	simm.s32 $0x2;
	s7 =	sor.u32 $0x78000, s7;
	s4 =	sadd.s32 $0x800, s4  }
0xa: {  	s5 =	smax.u32 s5, $0x1;
	s3 =	sadd.s32 s3, s7;
	s7 =	simm.s32 $0x8000  }
.LBB2_1:
0xb: {  	[tilespmem:s2], [sflag:$0x1] =	stream.linear.gather [hbm4b:s3+s2], $0x8000, $0x38;
	[tilespmem:$0x8080] =	vst v63  }
0xc: {  	_ =	swait.ge [sflag:s6], $0x8000  }
0xd: {  	[sflag:s6] =	ssyncset.done $0x0  }
0xe: {  	s10 =	simm.s32 $0x0;
	[sflag:s6] =	ssyncadd.s32 $0xFFFF8000  }
0xf: {  	v6 =	vld [tilespmem:s10+$0x70]  }
0x10: {  	v7 =	vld [tilespmem:s10+$0xF0]  }
0x11: {  	v8 =	vld [tilespmem:s10+$0x170]  }
0x12: {  	v9 =	vld [tilespmem:s10+$0x1F0]  }
0x13: {  	v0 =	vld [tilespmem:s10+$0x270]  }
0x14: {  	v1 =	vld [tilespmem:s10+$0x2F0]  }
0x15: {  	v14 =	vld [tilespmem:s10+$0x60]  }
0x16: {  	v16 =	vld [tilespmem:s10+$0xE0]  }
0x17: {  	v13 =	vld [tilespmem:s10+$0x160]  }
0x18: {  	v15 =	vld [tilespmem:s10+$0x1E0]  }
0x19: {  	v3 =	vld [tilespmem:s10+$0x260]  }
0x1a: {  	v2 =	vld [tilespmem:s10+$0x2E0]  }
0x1b: {  	v17 =	vld [tilespmem:s10+$0x50]  }
0x1c: {  	v18 =	vld [tilespmem:s10+$0xD0]  }
0x1d: {  	v19 =	vld [tilespmem:s10+$0x150]  }
0x1e: {  	v24 =	vld [tilespmem:s10+$0x1D0]  }
0x1f: {  	v4 =	vld [tilespmem:s10+$0x250]  }
0x20: {  	v5 =	vld [tilespmem:s10+$0x2D0]  }
0x21: {  	v20 =	vld [tilespmem:s10+$0x40]  }
0x22: {  	v22 =	vld [tilespmem:s10+$0xC0]  }
0x23: {  	v23 =	vld [tilespmem:s10+$0x140]  }
0x24: {  	v30 =	vld [tilespmem:s10+$0x1C0]  }
0x25: {  	v10 =	vld [tilespmem:s10+$0x240]  }
0x26: {  	v27 =	vld [tilespmem:s10+$0x30]  }
0x27: {  	v28 =	vld [tilespmem:s10+$0xB0]  }
0x28: {  	v25 =	vld [tilespmem:s10+$0x20]  }
0x29: {  	v26 =	vld [tilespmem:s10+$0xA0]  }
0x2a: {  	v11 =	vld [tilespmem:s10+$0x10]  }
0x2b: {  	v21 =	vld [tilespmem:s10+$0x90]  }
0x2c: {  	v29 =	vld [tilespmem:s10+$0x0]  }
0x2d: {  	v31 =	vld [tilespmem:s10+$0x80]  }
0x2e: {  	v32 =	vld [tilespmem:s10+$0x100]  }
0x2f: {  	v33 =	vld [tilespmem:s10+$0x180]  }
0x30: {  	v34 =	vld [tilespmem:s10+$0x110]  }
0x31: {  	v35 =	vld [tilespmem:s10+$0x190]  }
0x32: {  	v12 =	vimm.f32 $0.0e+00;
	v36 =	vld [tilespmem:s10+$0x120]  }
0x33: {  	v37 =	vld [tilespmem:s10+$0x1A0];
	v29 =	vadd.f32 v29, v12;
	v31 =	vadd.f32 v31, v12  }
0x34: {  	v38 =	vld [tilespmem:s10+$0x130];
	v32 =	vadd.f32 v32, v12;
	v33 =	vadd.f32 v33, v12  }
0x35: {  	v39 =	vld [tilespmem:s10+$0x1B0];
	v29 =	vadd.f32 v11, v29;
	v31 =	vadd.f32 v21, v31  }
0x36: {  	v11 =	vld [tilespmem:s10+$0x2C0];
	v32 =	vadd.f32 v34, v32;
	v33 =	vadd.f32 v35, v33  }
0x37: {  	v21 =	vld [tilespmem:s10+$0x230];
	v29 =	vadd.f32 v25, v29;
	v31 =	vadd.f32 v26, v31  }
0x38: {  	v25 =	vld [tilespmem:s10+$0x2B0];
	v32 =	vadd.f32 v36, v32;
	v33 =	vadd.f32 v37, v33  }
0x39: {  	v26 =	vld [tilespmem:s10+$0x220];
	v29 =	vadd.f32 v27, v29;
	v31 =	vadd.f32 v28, v31  }
0x3a: {  	v27 =	vld [tilespmem:s10+$0x2A0];
	v32 =	vadd.f32 v38, v32;
	v33 =	vadd.f32 v39, v33  }
0x3b: {  	v28 =	vld [tilespmem:s10+$0x210];
	v20 =	vadd.f32 v20, v29;
	v22 =	vadd.f32 v22, v31  }
0x3c: {  	v29 =	vld [tilespmem:s10+$0x290];
	v23 =	vadd.f32 v23, v32;
	v63 =	vadd.f32 v30, v33  }
0x3d: {  	v30 =	vld [tilespmem:s10+$0x200];
	v20 =	vadd.f32 v17, v20;
	v22 =	vadd.f32 v18, v22  }
0x3e: {  	v31 =	vld [tilespmem:s10+$0x280];
	v23 =	vadd.f32 v19, v23;
	v24 =	vadd.f32 v24, v63  }
0x3f: {  	s11 =	simm.s32 $0x1000;
	v32 =	vld [tilespmem:s10+$0x300];
	v19 =	vimm.f32 $0.0e+00;
	v18 =	vimm.f32 $0.0e+00;
	v17 =	vimm.f32 $0.0e+00  }
.LBB2_2:
0x40: {  	p0 =	sne.s32 s11, $0x1F000;
	v14 =	vadd.f32 v14, v20;
	v16 =	vadd.f32 v16, v22;
	v33 =	vld [tilespmem:s10+$0x380]  }
0x41: {  	v13 =	vadd.f32 v13, v23;
	v15 =	vadd.f32 v15, v24;
	v34 =	vld [tilespmem:s10+$0x310]  }
0x42: {  	v22 =	vadd.f32 v6, v14;
	v23 =	vadd.f32 v7, v16;
	v6 =	vld [tilespmem:s10+$0x390]  }
0x43: {  	v24 =	vadd.f32 v8, v13;
	v20 =	vadd.f32 v9, v15;
	v7 =	vld [tilespmem:s10+$0x320]  }
0x44: {  	v8 =	vadd.f32 v30, v12;
	v9 =	vadd.f32 v31, v19;
	v12 =	vld [tilespmem:s10+$0x3A0]  }
0x45: {  	v13 =	vadd.f32 v32, v18;
	v14 =	vld [tilespmem:s10+$0x330];
	v15 =	vadd.f32 v33, v17  }
0x46: {  	v8 =	vadd.f32 v28, v8;
	v9 =	vadd.f32 v29, v9;
	v16 =	vld [tilespmem:s10+$0x3B0]  }
0x47: {  	v13 =	vadd.f32 v34, v13;
	v17 =	vld [tilespmem:s10+$0x340];
	v6 =	vadd.f32 v6, v15  }
0x48: {  	v8 =	vadd.f32 v26, v8;
	v9 =	vadd.f32 v27, v9;
	v15 =	vld [tilespmem:s10+$0x3C0]  }
0x49: {  	v7 =	vadd.f32 v7, v13;
	v13 =	vld [tilespmem:s10+$0x350];
	v6 =	vadd.f32 v12, v6  }
0x4a: {  	v8 =	vadd.f32 v21, v8;
	v9 =	vadd.f32 v25, v9;
	v12 =	vld [tilespmem:s10+$0x3D0]  }
0x4b: {  	v7 =	vadd.f32 v14, v7;
	v14 =	vld [tilespmem:s10+$0x360];
	v6 =	vadd.f32 v16, v6  }
0x4c: {  	v8 =	vadd.f32 v10, v8;
	v9 =	vadd.f32 v11, v9;
	v10 =	vld [tilespmem:s10+$0x3E0]  }
0x4d: {  	v7 =	vadd.f32 v17, v7;
	v11 =	vld [tilespmem:s10+$0x370];
	v15 =	vadd.f32 v15, v6  }
0x4e: {  	v4 =	vadd.f32 v4, v8;
	v5 =	vadd.f32 v5, v9;
	v16 =	vld [tilespmem:s10+$0x3F0];
	s10 =	sshra.s32 s11, $0x2  }
0x4f: {  	v9 =	vadd.f32 v13, v7;
	v6 =	vld [tilespmem:s10+$0x70];
	v12 =	vadd.f32 v12, v15  }
0x50: {  	v3 =	vadd.f32 v3, v4;
	v2 =	vadd.f32 v2, v5;
	v7 =	vld [tilespmem:s10+$0xF0]  }
0x51: {  	v4 =	vadd.f32 v14, v9;
	v8 =	vld [tilespmem:s10+$0x170];
	v5 =	vadd.f32 v10, v12  }
0x52: {  	v12 =	vadd.f32 v0, v3;
	v19 =	vadd.f32 v1, v2;
	v9 =	vld [tilespmem:s10+$0x1F0]  }
0x53: {  	v18 =	vadd.f32 v11, v4;
	v0 =	vld [tilespmem:s10+$0x270];
	v17 =	vadd.f32 v16, v5  }
0x54: {  	v1 =	vld [tilespmem:s10+$0x2F0]  }
0x55: {  	v14 =	vld [tilespmem:s10+$0x60]  }
0x56: {  	v16 =	vld [tilespmem:s10+$0xE0]  }
0x57: {  	v13 =	vld [tilespmem:s10+$0x160]  }
0x58: {  	v15 =	vld [tilespmem:s10+$0x1E0]  }
0x59: {  	v3 =	vld [tilespmem:s10+$0x260]  }
0x5a: {  	v2 =	vld [tilespmem:s10+$0x2E0]  }
0x5b: {  	v31 =	vld [tilespmem:s10+$0x50]  }
0x5c: {  	v32 =	vld [tilespmem:s10+$0xD0]  }
0x5d: {  	v33 =	vld [tilespmem:s10+$0x150]  }
0x5e: {  	v34 =	vld [tilespmem:s10+$0x1D0]  }
0x5f: {  	v4 =	vld [tilespmem:s10+$0x250]  }
0x60: {  	v5 =	vld [tilespmem:s10+$0x2D0]  }
0x61: {  	v29 =	vld [tilespmem:s10+$0x40]  }
0x62: {  	v30 =	vld [tilespmem:s10+$0xC0]  }
0x63: {  	v35 =	vld [tilespmem:s10+$0x140]  }
0x64: {  	v36 =	vld [tilespmem:s10+$0x1C0]  }
0x65: {  	v10 =	vld [tilespmem:s10+$0x240]  }
0x66: {  	v11 =	vld [tilespmem:s10+$0x2C0]  }
0x67: {  	v27 =	vld [tilespmem:s10+$0x30]  }
0x68: {  	v28 =	vld [tilespmem:s10+$0xB0]  }
0x69: {  	v25 =	vld [tilespmem:s10+$0x20]  }
0x6a: {  	v26 =	vld [tilespmem:s10+$0xA0]  }
0x6b: {  	v21 =	vld [tilespmem:s10+$0x10]  }
0x6c: {  	v37 =	vld [tilespmem:s10+$0x90]  }
0x6d: {  	v38 =	vld [tilespmem:s10+$0x0]  }
0x6e: {  	v39 =	vld [tilespmem:s10+$0x80]  }
0x6f: {  	v40 =	vld [tilespmem:s10+$0x100]  }
0x70: {  	v41 =	vld [tilespmem:s10+$0x180]  }
0x71: {  	v42 =	vld [tilespmem:s10+$0x110]  }
0x72: {  	v43 =	vld [tilespmem:s10+$0x190]  }
0x73: {  	v44 =	vld [tilespmem:s10+$0x120]  }
0x74: {  	v22 =	vadd.f32 v38, v22;
	v23 =	vadd.f32 v39, v23;
	v38 =	vld [tilespmem:s10+$0x1A0]  }
0x75: {  	v24 =	vadd.f32 v40, v24;
	v39 =	vld [tilespmem:s10+$0x130];
	v20 =	vadd.f32 v41, v20  }
0x76: {  	v22 =	vadd.f32 v21, v22;
	v23 =	vadd.f32 v37, v23;
	v37 =	vld [tilespmem:s10+$0x1B0]  }
0x77: {  	v24 =	vadd.f32 v42, v24;
	v20 =	vadd.f32 v43, v20;
	v21 =	vld [tilespmem:s10+$0x230]  }
0x78: {  	v22 =	vadd.f32 v25, v22;
	v23 =	vadd.f32 v26, v23;
	v25 =	vld [tilespmem:s10+$0x2B0]  }
0x79: {  	v24 =	vadd.f32 v44, v24;
	v20 =	vadd.f32 v38, v20;
	v26 =	vld [tilespmem:s10+$0x220]  }
0x7a: {  	v22 =	vadd.f32 v27, v22;
	v23 =	vadd.f32 v28, v23;
	v27 =	vld [tilespmem:s10+$0x2A0]  }
.Ltmp0:
0x7b: {  	v24 =	vadd.f32 v39, v24;
	v20 =	vadd.f32 v37, v20;
	v28 =	vld [tilespmem:s10+$0x210];
	(pc) =	sbr.rel @p0 .LBB2_2-.Ltmp0, $4  }
0x7c: {  	v22 =	vadd.f32 v29, v22;
	v23 =	vadd.f32 v30, v23;
	v29 =	vld [tilespmem:s10+$0x290]  }
0x7d: {  	v24 =	vadd.f32 v35, v24;
	v35 =	vadd.f32 v36, v20;
	v30 =	vld [tilespmem:s10+$0x200]  }
0x7e: {  	v20 =	vadd.f32 v31, v22;
	v22 =	vadd.f32 v32, v23;
	v31 =	vld [tilespmem:s10+$0x280]  }
0x7f: {  	s11 =	sadd.s32 $0x1000, s11;
	v23 =	vadd.f32 v33, v24;
	v24 =	vadd.f32 v34, v35;
	v32 =	vld [tilespmem:s10+$0x300]  }
0x80: {  	v14 =	vadd.f32 v14, v20;
	v16 =	vadd.f32 v16, v22  }
0x81: {  	v40 =	vld [tilespmem:s10+$0x380];
	v13 =	vadd.f32 v13, v23;
	v15 =	vadd.f32 v15, v24  }
0x82: {  	v41 =	vld [tilespmem:s10+$0x310];
	v6 =	vadd.f32 v6, v14;
	v7 =	vadd.f32 v7, v16  }
0x83: {  	v42 =	vld [tilespmem:s10+$0x390];
	v12 =	vadd.f32 v30, v12;
	v8 =	vadd.f32 v8, v13  }
0x84: {  	v43 =	vld [tilespmem:s10+$0x320];
	v9 =	vadd.f32 v9, v15;
	v44 =	vadd.f32 v31, v19  }
0x85: {  	v45 =	vld [tilespmem:s10+$0x3A0];
	v18 =	vadd.f32 v32, v18;
	v12 =	vadd.f32 v28, v12  }
0x86: {  	v46 =	vld [tilespmem:s10+$0x330];
	v17 =	vadd.f32 v40, v17;
	v15 =	vadd.f32 v29, v44  }
0x87: {  	v47 =	vld [tilespmem:s10+$0x3B0];
	v18 =	vadd.f32 v41, v18;
	v12 =	vadd.f32 v26, v12  }
0x88: {  	v48 =	vld [tilespmem:s10+$0x340];
	v14 =	vadd.f32 v42, v17;
	v15 =	vadd.f32 v27, v15  }
0x89: {  	v49 =	vld [tilespmem:s10+$0x3C0];
	v13 =	vadd.f32 v43, v18;
	v12 =	vadd.f32 v21, v12  }
0x8a: {  	v50 =	vld [tilespmem:s10+$0x350];
	v14 =	vadd.f32 v45, v14;
	v15 =	vadd.f32 v25, v15  }
0x8b: {  	v51 =	vld [tilespmem:s10+$0x3D0];
	v13 =	vadd.f32 v46, v13;
	v10 =	vadd.f32 v10, v12  }
0x8c: {  	v52 =	vld [tilespmem:s10+$0x360];
	v53 =	vadd.f32 v47, v14;
	v11 =	vadd.f32 v11, v15  }
0x8d: {  	v54 =	vld [tilespmem:s10+$0x3E0];
	v13 =	vadd.f32 v48, v13;
	v4 =	vadd.f32 v4, v10  }
0x8e: {  	v55 =	vld [tilespmem:s10+$0x370];
	v56 =	vadd.f32 v49, v53;
	v5 =	vadd.f32 v5, v11  }
0x8f: {  	v57 =	vld [tilespmem:s10+$0x3F0];
	[tilespmem:$0x8000] =	vst v6;
	v58 =	vadd.f32 v50, v13;
	v3 =	vadd.f32 v3, v4  }
0x90: {  	[tilespmem:$0x8010] =	vst v7;
	v59 =	vadd.f32 v51, v56;
	v2 =	vadd.f32 v2, v5  }
0x91: {  	[tilespmem:$0x8020] =	vst v8;
	v60 =	vadd.f32 v52, v58;
	v0 =	vadd.f32 v0, v3  }
0x92: {  	[tilespmem:$0x8030] =	vst v9;
	v61 =	vadd.f32 v54, v59;
	v1 =	vadd.f32 v1, v2  }
0x93: {  	v62 =	vadd.f32 v55, v60;
	[tilespmem:$0x8040] =	vst v0  }
0x94: {  	s9 =	sadd.s32 $0x1, s9;
	v63 =	vadd.f32 v57, v61;
	[tilespmem:$0x8050] =	vst v1  }
0x95: {  	p0 =	sne.s32 s9, s5;
	[tilespmem:$0x8060] =	vst v62  }
.Ltmp1:
0x96: {  	[tilespmem:$0x8070] =	vst v63;
	(pc) =	sbr.rel @p0 .LBB2_1-.Ltmp1, $4  }
0x97: {  	[hbm4b:s4+s2] =	stream.linear.scatter [tilespmem:s7], [sflag:$0x2], $0x80, $0x38;
	[tilespmem:$0x8080] =	vst v63  }
0x98: {  	_ =	swait.ge [sflag:s8], $0x80  }
0x99: {  	[sflag:s8] =	ssyncset.done $0x0  }
0x9a: {  	[sflag:s8] =	ssyncadd.s32 $0xFFFFFF80  }
0x9b: {  	_ =	sfence.sel $0x180000  }
0x9c: {  	[bflag:$0x0] =	sbarrier.arrive $0xFFFF  }
0x9d: {  	p0 =	sne.s32 s0, $0x0;
	_ =	strace $0x90000047  }
0x9e: {  	s0 =	sadd.s32 @!p0 $0x100000, s1;
	[bflag:$0x2] =	sbarrier.arrive $0xFFFF  }
0x9f: {  	[sflag:s0] =	ssyncadd.tile.s32 @!p0 $0x1;
	_ =	shalt  }
.Lfunc_end2:
_tile_overlayer_lowered:
.L_overlay_start_2:
0xa0: {  	(tag) =	ssettag $0x2  }
0xa1: {  	s0 =	rddreg [dreg:$0x0];
	s2 =	stileid.u32  }
0xa2: {  	s1 =	rddreg [dreg:$0x1];
	p0 =	sne.s32 s2, $0x0  }
0xa3: {  	s3 =	rddreg [dreg:$0x2];
	[bflag:$0x3] =	sbarrier.arrive $0xFFFF;
	s2 =	simm.s32 @!p0 $0x1C02  }
0xa4: {  	[timem:s3], [sflag:s2] =	dma.local @!p0 [hbm:s0], s1  }
0xa5: {  	s0 =	simm.s32 @!p0 $0x2  }
0xa6: {  	_ =	swait.ge @!p0 [sflag:s0], s1  }
0xa7: {  	s1 =	ssub.s32 @!p0 $0x0, s1;
	[sflag:s0] =	ssyncset.done @!p0 $0x0  }
0xa8: {  	[sflag:s0] =	ssyncadd.s32 @!p0 s1  }
0xa9: {  	[bflag:$0x3] =	sbarrier.arrive $0xFFFF  }
0xaa: {  	_ =	shalt  }

</sc_bundles>
